<compile_context>
chip_gen: v7x
topology: tpu7x:2x2x1
jax: 0.10.2.dev20260603
libtpu: 0.0.44.dev20260713+nightly
codegen_flags: <defaults>
</compile_context>

<pallas_src>
import functools

import jax
import jax.numpy as jnp
from jax import lax
from jax.experimental import pallas as pl

_CFGS = [
    dict(npoint=1024, nsample=38, in_ch=3, mlp=[32, 32, 64], bw=0.05),
    dict(npoint=256, nsample=38, in_ch=67, mlp=[64, 64, 128], bw=0.10),
    dict(npoint=64, nsample=38, in_ch=131, mlp=[128, 128, 256], bw=0.20),
    dict(npoint=36, nsample=38, in_ch=259, mlp=[256, 256, 512], bw=0.40),
]

_INTERPRET = False



def _density_body(xc_ref, rows_ref, out_ref, *, bw):
    a = rows_ref[...]
    xc = xc_ref[...]
    ab = lax.dot_general(a, xc, (((1,), (0,)), ((), ())),
                         preferred_element_type=jnp.float32)
    na = jnp.sum(a * a, axis=1, keepdims=True)
    nb = jnp.sum(xc * xc, axis=0, keepdims=True)
    d = -2.0 * ab + na + nb
    g = jnp.exp(-d / (2.0 * bw * bw)) / (2.5 * bw)
    out_ref[...] = jnp.mean(g, axis=-1)[None, :]


def _density(xyz_c, bw):
    B, _, N = xyz_c.shape
    xyz_t = jnp.transpose(xyz_c, (0, 2, 1))
    blk = min(N, 512)
    out = pl.pallas_call(
        functools.partial(_density_body, bw=bw),
        grid=(B, N // blk),
        in_specs=[pl.BlockSpec((None, 3, N), lambda b, i: (b, 0, 0)),
                  pl.BlockSpec((None, blk, 3), lambda b, i: (b, i, 0))],
        out_specs=pl.BlockSpec((None, 1, blk), lambda b, i: (b, 0, i)),
        out_shape=jax.ShapeDtypeStruct((B, 1, N), jnp.float32),
        interpret=_INTERPRET,
    )(xyz_c, xyz_t)
    return out.reshape(B, N)



def _fps_body(xc_ref, out_ref, *, npoint):
    b, _, n = xc_ref.shape
    xs = [xc_ref[:, c, :] for c in range(3)]
    iota = lax.broadcasted_iota(jnp.int32, (b, n), 1)

    iota_p = lax.broadcasted_iota(jnp.int32, (b, npoint), 1)

    def body(i, state):
        cent, dist, far = state
        cent = jnp.where(iota_p == i, jnp.broadcast_to(far, cent.shape), cent)
        oh = (iota == far).astype(jnp.float32)
        d = None
        for c in range(3):
            cc = jnp.sum(xs[c] * oh, axis=-1, keepdims=True)
            t = xs[c] - cc
            t = t * t
            d = t if d is None else d + t
        dist = jnp.minimum(dist, d)
        far = jnp.argmax(dist, axis=-1, keepdims=True).astype(jnp.int32)
        return cent, dist, far

    cent0 = out_ref[...]
    dist0 = xs[0] * 0.0 + 1e10
    far0 = cent0[:, :1] * 0
    cent, _, _ = lax.fori_loop(0, npoint, body, (cent0, dist0, far0))
    out_ref[...] = cent


def _fps(xyz_c, npoint):
    B = xyz_c.shape[0]
    return pl.pallas_call(
        functools.partial(_fps_body, npoint=npoint),
        out_shape=jax.ShapeDtypeStruct((B, npoint), jnp.int32),
        interpret=_INTERPRET,
    )(xyz_c)



def _knn_body(xc_ref, new_ref, out_ref, *, k):
    a = new_ref[...]
    xc = xc_ref[...]
    sblk = a.shape[0]
    n = xc.shape[1]
    ab = lax.dot_general(a, xc, (((1,), (0,)), ((), ())),
                         preferred_element_type=jnp.float32)
    na = jnp.sum(a * a, axis=1, keepdims=True)
    nb = jnp.sum(xc * xc, axis=0, keepdims=True)
    d = -2.0 * ab + na + nb
    iot = lax.broadcasted_iota(jnp.int32, (sblk, n), 1)

    iota_k = lax.broadcasted_iota(jnp.int32, (sblk, k), 1)

    def body(kk, state):
        d, out = state
        am = jnp.argmin(d, axis=-1, keepdims=True).astype(jnp.int32)
        out = jnp.where(iota_k == kk, jnp.broadcast_to(am, out.shape), out)
        d = jnp.where(iot == am, jnp.inf, d)
        return d, out

    out0 = out_ref[...]
    _, out = lax.fori_loop(0, k, body, (d, out0))
    out_ref[...] = out


def _knn(new_xyz, xyz_c, k):
    B, S, _ = new_xyz.shape
    N = xyz_c.shape[2]
    sblk = min(S, 256)
    return pl.pallas_call(
        functools.partial(_knn_body, k=k),
        grid=(B, S // sblk),
        in_specs=[pl.BlockSpec((None, 3, N), lambda b, i: (b, 0, 0)),
                  pl.BlockSpec((None, sblk, 3), lambda b, i: (b, i, 0))],
        out_specs=pl.BlockSpec((None, sblk, k), lambda b, i: (b, i, 0)),
        out_shape=jax.ShapeDtypeStruct((B, S, k), jnp.int32),
        interpret=_INTERPRET,
    )(xyz_c, new_xyz)



def _index_points(points, idx):
    return jax.vmap(lambda p, i: p[i])(points, idx)


def _conv_bn(x, p, act):
    y = jnp.einsum('bcks,oc->boks', x, p['W']) + p['b'][None, :, None, None]
    mean = jnp.mean(y, axis=(0, 2, 3), keepdims=True)
    var = jnp.var(y, axis=(0, 2, 3), keepdims=True)
    y = (y - mean) / jnp.sqrt(var + 1e-5)
    y = y * p['gamma'][None, :, None, None] + p['beta'][None, :, None, None]
    return jax.nn.relu(y) if act == 'relu' else jax.nn.sigmoid(y)


def _sa(xyz_c, points, p, cfg):
    B = xyz_c.shape[0]
    xyz_t = jnp.transpose(xyz_c, (0, 2, 1))
    pts_t = jnp.transpose(points, (0, 2, 1))
    density = _density(xyz_c, cfg['bw'])
    inv_density = (1.0 / density)[:, :, None]
    S = cfg['npoint']
    K = cfg['nsample']
    fps_idx = _fps(xyz_c, S)
    new_xyz = _index_points(xyz_t, fps_idx)
    idx = _knn(new_xyz, xyz_c, K)
    grouped_xyz = _index_points(xyz_t, idx)
    grouped_xyz_norm = grouped_xyz - new_xyz[:, :, None, :]
    grouped_points = _index_points(pts_t, idx)
    new_points = jnp.concatenate([grouped_xyz_norm, grouped_points], axis=-1)
    grouped_density = _index_points(inv_density, idx)
    x = jnp.transpose(new_points, (0, 3, 2, 1))
    for cp in p['mlp']:
        x = _conv_bn(x, cp, 'relu')
    inv_max = jnp.max(grouped_density, axis=2, keepdims=True)
    dscale = grouped_density / inv_max
    d = jnp.transpose(dscale, (0, 3, 2, 1))
    nd = len(p['densitynet'])
    for j, cp in enumerate(p['densitynet']):
        d = _conv_bn(d, cp, 'sigmoid' if j == nd - 1 else 'relu')
    x = x * d
    g = jnp.transpose(grouped_xyz_norm, (0, 3, 2, 1))
    for cp in p['weightnet']:
        g = _conv_bn(g, cp, 'relu')
    xm = jnp.transpose(x, (0, 3, 1, 2))
    gm = jnp.transpose(g, (0, 3, 2, 1))
    out = jnp.matmul(xm, gm).reshape(B, S, -1)
    out = out @ p['linear']['W'].T + p['linear']['b']
    out = jnp.transpose(out, (0, 2, 1))
    mean = jnp.mean(out, axis=(0, 2), keepdims=True)
    var = jnp.var(out, axis=(0, 2), keepdims=True)
    out = (out - mean) / jnp.sqrt(var + 1e-5)
    out = out * p['bn_linear']['gamma'][None, :, None] + p['bn_linear']['beta'][None, :, None]
    out = jax.nn.relu(out)
    return jnp.transpose(new_xyz, (0, 2, 1)), out


def kernel(xyz, feat, params):
    l1x, l1p = _sa(xyz, feat, params['sa1'], _CFGS[0])
    l2x, l2p = _sa(l1x, l1p, params['sa2'], _CFGS[1])
    l3x, l3p = _sa(l2x, l2p, params['sa3'], _CFGS[2])
    l4x, l4p = _sa(l3x, l3p, params['sa4'], _CFGS[3])
    return (l1x, l1p, l2x, l2p, l3x, l3p, l4x, l4p)

# --- scband reference (transcript-rebuilt; emitter-appended) ---
"""Pipeline reference for scband-point-enc-32650341384578 (READ-ONLY COPY).

The authoritative reference and input builder live on the scoring server;
editing this copy changes nothing except your own understanding.
"""

import jax, jax.numpy as jnp
import numpy as np

LAYERS = [
    dict(npoint=1024, nsample=38, in_ch=3, mlp=[32, 32, 64], bw=0.05),
    dict(npoint=256, nsample=38, in_ch=67, mlp=[64, 64, 128], bw=0.10),
    dict(npoint=64, nsample=38, in_ch=131, mlp=[128, 128, 256], bw=0.20),
    dict(npoint=36, nsample=38, in_ch=259, mlp=[256, 256, 512], bw=0.40),
]

def _mk_conv(key, cin, cout):
    k1, _ = jax.random.split(key)
    return {'W': jax.random.normal(k1, (cout, cin), dtype=jnp.float32) / np.sqrt(max(cin, 1)),
            'b': jnp.zeros((cout,), jnp.float32),
            'gamma': jnp.ones((cout,), jnp.float32),
            'beta': jnp.zeros((cout,), jnp.float32)}

def _mk_layer(key, cfg):
    keys = jax.random.split(key, 16)
    ki = 0
    p = {}
    convs = []
    cin = cfg['in_ch']
    for cout in cfg['mlp']:
        convs.append(_mk_conv(keys[ki], cin, cout)); ki += 1
        cin = cout
    p['mlp'] = convs
    dens = []
    for a, b in zip([1, 8, 8], [8, 8, 1]):
        dens.append(_mk_conv(keys[ki], a, b)); ki += 1
    p['densitynet'] = dens
    wn = []
    for a, b in zip([3, 8, 8], [8, 8, 16]):
        wn.append(_mk_conv(keys[ki], a, b)); ki += 1
    p['weightnet'] = wn
    cm = cfg['mlp'][-1]
    p['linear'] = {'W': jax.random.normal(keys[ki], (cm, 16 * cm), dtype=jnp.float32) / np.sqrt(16 * cm),
                   'b': jnp.zeros((cm,), jnp.float32)}
    p['bn_linear'] = {'gamma': jnp.ones((cm,), jnp.float32), 'beta': jnp.zeros((cm,), jnp.float32)}
    return p

def setup_inputs(seed: int = 0):
    key = jax.random.key(seed)
    kx, kp = jax.random.split(key)
    B, N = 4, 4096
    xyz = jax.random.normal(kx, (B, 3, N), dtype=jnp.float32)
    feat = jnp.zeros((B, 0, N), dtype=jnp.float32)
    pkeys = jax.random.split(kp, len(LAYERS))
    params = {'sa%d' % (i + 1): _mk_layer(pkeys[i], cfg) for i, cfg in enumerate(LAYERS)}
    return {'xyz': xyz, 'feat': feat, 'params': params}

def square_distance(src, dst):
    d = -2.0 * jnp.einsum('bmc,bnc->bmn', src, dst)
    return d + jnp.sum(src ** 2, -1)[:, :, None] + jnp.sum(dst ** 2, -1)[:, None, :]

def index_points(points, idx):
    return jax.vmap(lambda p, i: p[i])(points, idx)

def farthest_point_sample(xyz, npoint):
    B, N, _ = xyz.shape
    def body(i, state):
        centroids, distance, farthest = state
        centroids = centroids.at[:, i].set(farthest)
        centroid = jax.vmap(lambda p, j: p[j])(xyz, farthest)
        dist = jnp.sum((xyz - centroid[:, None, :]) ** 2, axis=-1)
        distance = jnp.minimum(distance, dist)
        farthest = jnp.argmax(distance, axis=-1).astype(jnp.int32)
        return (centroids, distance, farthest)
    state = (jnp.zeros((B, npoint), jnp.int32), jnp.full((B, N), 1e10, dtype=jnp.float32), jnp.zeros((B,), jnp.int32))
    centroids, _, _ = jax.lax.fori_loop(0, npoint, body, state)
    return centroids

def knn_point(nsample, xyz, new_xyz):
    sqrdists = square_distance(new_xyz, xyz)
    _, idx = jax.lax.top_k(-sqrdists, nsample)
    return idx

def compute_density(xyz, bandwidth):
    sqrdists = square_distance(xyz, xyz)
    g = jnp.exp(-sqrdists / (2.0 * bandwidth * bandwidth)) / (2.5 * bandwidth)
    return jnp.mean(g, axis=-1)

def conv_bn(x, p, act):
    y = jnp.einsum('bcks,oc->boks', x, p['W']) + p['b'][None, :, None, None]
    mean = jnp.mean(y, axis=(0, 2, 3), keepdims=True)
    var = jnp.var(y, axis=(0, 2, 3), keepdims=True)
    y = (y - mean) / jnp.sqrt(var + 1e-5)
    y = y * p['gamma'][None, :, None, None] + p['beta'][None, :, None, None]
    return jax.nn.relu(y) if act == 'relu' else jax.nn.sigmoid(y)

def set_abstraction(xyz, points, p, cfg):
    B = xyz.shape[0]
    xyz_t = jnp.transpose(xyz, (0, 2, 1))
    pts_t = jnp.transpose(points, (0, 2, 1))
    density = compute_density(xyz_t, cfg['bw'])
    inv_density = (1.0 / density)[:, :, None]
    S = cfg['npoint']; K = cfg['nsample']
    fps_idx = farthest_point_sample(jax.lax.stop_gradient(xyz_t), S)
    new_xyz = index_points(xyz_t, fps_idx)
    idx = knn_point(K, jax.lax.stop_gradient(xyz_t), jax.lax.stop_gradient(new_xyz))
    grouped_xyz = index_points(xyz_t, idx)
    grouped_xyz_norm = grouped_xyz - new_xyz[:, :, None, :]
    grouped_points = index_points(pts_t, idx)
    new_points = jnp.concatenate([grouped_xyz_norm, grouped_points], axis=-1)
    grouped_density = index_points(inv_density, idx)
    x = jnp.transpose(new_points, (0, 3, 2, 1))
    for cp in p['mlp']:
        x = conv_bn(x, cp, 'relu')
    inv_max = jnp.max(grouped_density, axis=2, keepdims=True)
    dscale = grouped_density / inv_max
    d = jnp.transpose(dscale, (0, 3, 2, 1))
    nd = len(p['densitynet'])
    for j, cp in enumerate(p['densitynet']):
        d = conv_bn(d, cp, 'sigmoid' if j == nd - 1 else 'relu')
    x = x * d
    g = jnp.transpose(grouped_xyz_norm, (0, 3, 2, 1))
    for cp in p['weightnet']:
        g = conv_bn(g, cp, 'relu')
    xm = jnp.transpose(x, (0, 3, 1, 2))
    gm = jnp.transpose(g, (0, 3, 2, 1))
    out = jnp.matmul(xm, gm).reshape(B, S, -1)
    out = out @ p['linear']['W'].T + p['linear']['b']
    out = jnp.transpose(out, (0, 2, 1))
    mean = jnp.mean(out, axis=(0, 2), keepdims=True)
    var = jnp.var(out, axis=(0, 2), keepdims=True)
    out = (out - mean) / jnp.sqrt(var + 1e-5)
    out = out * p['bn_linear']['gamma'][None, :, None] + p['bn_linear']['beta'][None, :, None]
    out = jax.nn.relu(out)
    return jnp.transpose(new_xyz, (0, 2, 1)), out

def reference(xyz, feat, params):
    l1x, l1p = set_abstraction(xyz, feat, params['sa1'], LAYERS[0])
    l2x, l2p = set_abstraction(l1x, l1p, params['sa2'], LAYERS[1])
    l3x, l3p = set_abstraction(l2x, l2p, params['sa3'], LAYERS[2])
    l4x, l4p = set_abstraction(l3x, l3p, params['sa4'], LAYERS[3])
    return (l1x, l1p, l2x, l2p, l3x, l3p, l4x, l4p)

if __name__ == "__main__":
    import jax
    _d = setup_inputs()
    print(jax.jit(kernel)(*tuple(_d.values())))

</pallas_src>

<mosaic_0001>
module attributes {stable_mosaic.version = 14 : i64} {
  func.func @_fps_body(%arg0: memref<4x3x4096xf32, #tpu.memory_space<vmem>>, %arg1: memref<4x1024xi32, #tpu.memory_space<vmem>>) attributes {dimension_semantics = [], scalar_prefetch = 0 : i64, scratch_operands = 0 : i64, tpu.core_type = #tpu.core_type<tc>} {
    %get3A = arith.constant 0 : index
    %get3A_0 = arith.constant 0 : index
    %get3A_1 = arith.constant 0 : index
    %get3A_2 = vector.load %arg0[%get3A, %get3A_0, %get3A_1] : memref<4x3x4096xf32, #tpu.memory_space<vmem>>, vector<4x1x4096xf32>
    %get3A_3 = vector.shape_cast %get3A_2 : vector<4x1x4096xf32> to vector<4x4096xf32>
    %get3A_4 = arith.constant 0 : index
    %get3A_5 = arith.constant 1 : index
    %get3A_6 = arith.constant 0 : index
    %get3A_7 = vector.load %arg0[%get3A_4, %get3A_5, %get3A_6] : memref<4x3x4096xf32, #tpu.memory_space<vmem>>, vector<4x1x4096xf32>
    %get3A_8 = vector.shape_cast %get3A_7 : vector<4x1x4096xf32> to vector<4x4096xf32>
    %get3A_9 = arith.constant 0 : index
    %get3A_10 = arith.constant 2 : index
    %get3A_11 = arith.constant 0 : index
    %get3A_12 = vector.load %arg0[%get3A_9, %get3A_10, %get3A_11] : memref<4x3x4096xf32, #tpu.memory_space<vmem>>, vector<4x1x4096xf32>
    %get3A_13 = vector.shape_cast %get3A_12 : vector<4x1x4096xf32> to vector<4x4096xf32>
    %iota3A = tpu.iota {dimensions = array<i32: 1>} : vector<4x4096xi32>
    %iota3A_14 = tpu.iota {dimensions = array<i32: 1>} : vector<4x1024xi32>
    %get3A_15 = arith.constant 0 : index
    %get3A_16 = arith.constant 0 : index
    %get3A_17 = vector.load %arg1[%get3A_15, %get3A_16] : memref<4x1024xi32, #tpu.memory_space<vmem>>, vector<4x1024xi32>
    %mul3A = arith.constant 0.000000e+00 : f32
    %mul3A_18 = vector.broadcast %mul3A : f32 to vector<4x4096xf32>
    %mul3A_19 = arith.mulf %get3A_3, %mul3A_18 : vector<4x4096xf32>
    %add3A = arith.constant 1.000000e+10 : f32
    %add3A_20 = vector.broadcast %add3A : f32 to vector<4x4096xf32>
    %add3A_21 = arith.addf %mul3A_19, %add3A_20 : vector<4x4096xf32>
    %slice3A = vector.extract_strided_slice %get3A_17 {offsets = [0, 0], sizes = [4, 1], strides = [1, 1]} : vector<4x1024xi32> to vector<4x1xi32>
    %mul3A_22 = arith.constant 0 : i32
    %mul3A_23 = vector.broadcast %mul3A_22 : i32 to vector<4x1xi32>
    %mul3A_24 = arith.muli %slice3A, %mul3A_23 : vector<4x1xi32>
    %scan3A = arith.constant 0 : i32
    %scan3A_25 = arith.constant 1024 : i32
    %scan3A_26 = arith.addi %scan3A, %scan3A_25 : i32
    %scan3A_27 = arith.constant 1 : i32
    %scan3A_28:3 = scf.for %scan3A_32 = %scan3A to %scan3A_26 step %scan3A_27 iter_args(%scan3A_33 = %get3A_17, %scan3A_34 = %add3A_21, %scan3A_35 = %mul3A_24) -> (vector<4x1024xi32>, vector<4x4096xf32>, vector<4x1xi32>)  : i32 {
      %eq3A = vector.broadcast %scan3A_32 : i32 to vector<4x1024xi32>
      %eq3A_36 = arith.cmpi eq, %iota3A_14, %eq3A : vector<4x1024xi32>
      %broadcast_in_dim3A = vector.shape_cast %scan3A_35 : vector<4x1xi32> to vector<4x1xi32>
      %broadcast_in_dim3A_37 = vector.broadcast %broadcast_in_dim3A : vector<4x1xi32> to vector<4x1024xi32>
      %select_n3A = arith.select %eq3A_36, %broadcast_in_dim3A_37, %scan3A_33 : vector<4x1024xi1>, vector<4x1024xi32>
      %eq3A_38 = vector.broadcast %scan3A_35 : vector<4x1xi32> to vector<4x4096xi32>
      %eq3A_39 = arith.cmpi eq, %iota3A, %eq3A_38 : vector<4x4096xi32>
      %convert_element_type3A = arith.extui %eq3A_39 : vector<4x4096xi1> to vector<4x4096xi32>
      %convert_element_type3A_40 = arith.sitofp %convert_element_type3A : vector<4x4096xi32> to vector<4x4096xf32>
      %mul3A_41 = arith.mulf %get3A_3, %convert_element_type3A_40 : vector<4x4096xf32>
      %reduce_sum3A = arith.constant dense<0.000000e+00> : vector<4xf32>
      %reduce_sum3A_42 = vector.multi_reduction <add>, %mul3A_41, %reduce_sum3A [1] : vector<4x4096xf32> to vector<4xf32>
      %broadcast_in_dim3A_43 = vector.shape_cast %reduce_sum3A_42 : vector<4xf32> to vector<4x1xf32>
      %sub3A = vector.broadcast %broadcast_in_dim3A_43 : vector<4x1xf32> to vector<4x4096xf32>
      %sub3A_44 = arith.subf %get3A_3, %sub3A : vector<4x4096xf32>
      %mul3A_45 = arith.mulf %sub3A_44, %sub3A_44 : vector<4x4096xf32>
      %mul3A_46 = arith.mulf %get3A_8, %convert_element_type3A_40 : vector<4x4096xf32>
      %reduce_sum3A_47 = arith.constant dense<0.000000e+00> : vector<4xf32>
      %reduce_sum3A_48 = vector.multi_reduction <add>, %mul3A_46, %reduce_sum3A_47 [1] : vector<4x4096xf32> to vector<4xf32>
      %broadcast_in_dim3A_49 = vector.shape_cast %reduce_sum3A_48 : vector<4xf32> to vector<4x1xf32>
      %sub3A_50 = vector.broadcast %broadcast_in_dim3A_49 : vector<4x1xf32> to vector<4x4096xf32>
      %sub3A_51 = arith.subf %get3A_8, %sub3A_50 : vector<4x4096xf32>
      %mul3A_52 = arith.mulf %sub3A_51, %sub3A_51 : vector<4x4096xf32>
      %add3A_53 = arith.addf %mul3A_45, %mul3A_52 : vector<4x4096xf32>
      %mul3A_54 = arith.mulf %get3A_13, %convert_element_type3A_40 : vector<4x4096xf32>
      %reduce_sum3A_55 = arith.constant dense<0.000000e+00> : vector<4xf32>
      %reduce_sum3A_56 = vector.multi_reduction <add>, %mul3A_54, %reduce_sum3A_55 [1] : vector<4x4096xf32> to vector<4xf32>
      %broadcast_in_dim3A_57 = vector.shape_cast %reduce_sum3A_56 : vector<4xf32> to vector<4x1xf32>
      %sub3A_58 = vector.broadcast %broadcast_in_dim3A_57 : vector<4x1xf32> to vector<4x4096xf32>
      %sub3A_59 = arith.subf %get3A_13, %sub3A_58 : vector<4x4096xf32>
      %mul3A_60 = arith.mulf %sub3A_59, %sub3A_59 : vector<4x4096xf32>
      %add3A_61 = arith.addf %add3A_53, %mul3A_60 : vector<4x4096xf32>
      %min3A = arith.minimumf %scan3A_34, %add3A_61 : vector<4x4096xf32>
      %argmax3A = tpu.reduce_index %min3A {axis = 1 : i32, kind = #tpu.reduction_kind<arg_max>} : vector<4x4096xf32> -> vector<4xi32>
      %broadcast_in_dim3A_62 = vector.shape_cast %argmax3A : vector<4xi32> to vector<4x1xi32>
      scf.yield %select_n3A, %min3A, %broadcast_in_dim3A_62 : vector<4x1024xi32>, vector<4x4096xf32>, vector<4x1xi32>
    }
    %scan3A_29 = arith.constant 1024 : i32
    %swap3A = arith.constant 0 : index
    %swap3A_30 = arith.constant 0 : index
    %swap3A_31 = vector.load %arg1[%swap3A, %swap3A_30] : memref<4x1024xi32, #tpu.memory_space<vmem>>, vector<4x1024xi32>
    tpu.vector_store %arg1[%swap3A, %swap3A_30], %scan3A_28#0 {strides = array<i32>} : memref<4x1024xi32, #tpu.memory_space<vmem>>, vector<4x1024xi32>,
    return
  }
}

module attributes {stable_mosaic.version = 14 : i64} {
  func.func @_density_body(%arg0: i32, %arg1: i32, %arg2: memref<1x3x4096xf32, #tpu.memory_space<vmem>>, %arg3: memref<1x512x3xf32, #tpu.memory_space<vmem>>, %arg4: memref<1x1x512xf32, #tpu.memory_space<vmem>>) attributes {dimension_semantics = [#tpu.dimension_semantics<arbitrary>, #tpu.dimension_semantics<arbitrary>], iteration_bounds = array<i64: 4, 8>, scalar_prefetch = 0 : i64, scratch_operands = 0 : i64, tpu.core_type = #tpu.core_type<tc>, window_params = [{transform_indices = @transform_0, window_bounds = array<i64: 1, 3, 4096>}, {transform_indices = @transform_1, window_bounds = array<i64: 1, 512, 3>}, {transform_indices = @transform_2, window_bounds = array<i64: 1, 1, 512>}]} {
    %get3A = arith.constant 0 : index
    %get3A_0 = arith.constant 0 : index
    %get3A_1 = arith.constant 0 : index
    %get3A_2 = vector.load %arg3[%get3A, %get3A_0, %get3A_1] : memref<1x512x3xf32, #tpu.memory_space<vmem>>, vector<1x512x3xf32>
    %get3A_3 = vector.shape_cast %get3A_2 : vector<1x512x3xf32> to vector<512x3xf32>
    %get3A_4 = arith.constant 0 : index
    %get3A_5 = arith.constant 0 : index
    %get3A_6 = arith.constant 0 : index
    %get3A_7 = vector.load %arg2[%get3A_4, %get3A_5, %get3A_6] : memref<1x3x4096xf32, #tpu.memory_space<vmem>>, vector<1x3x4096xf32>
    %get3A_8 = vector.shape_cast %get3A_7 : vector<1x3x4096xf32> to vector<3x4096xf32>
    %dot_general3A = arith.constant dense<0.000000e+00> : vector<512x4096xf32>
    %dot_general3A_9 = tpu.matmul %get3A_3, %get3A_8, %dot_general3A {dimension_numbers = #tpu.dot_dimension_numbers<[1], [0], [0], [1], [0, 0, 1, 1], [], []>, transpose_lhs_hint = false} : vector<512x3xf32>, vector<3x4096xf32>, vector<512x4096xf32> -> vector<512x4096xf32>
    %mul3A = arith.mulf %get3A_3, %get3A_3 : vector<512x3xf32>
    %reduce_sum3A = arith.constant dense<0.000000e+00> : vector<512xf32>
    %reduce_sum3A_10 = vector.multi_reduction <add>, %mul3A, %reduce_sum3A [1] : vector<512x3xf32> to vector<512xf32>
    %broadcast_in_dim3A = vector.shape_cast %reduce_sum3A_10 : vector<512xf32> to vector<512x1xf32>
    %mul3A_11 = arith.mulf %get3A_8, %get3A_8 : vector<3x4096xf32>
    %reduce_sum3A_12 = arith.constant dense<0.000000e+00> : vector<4096xf32>
    %reduce_sum3A_13 = vector.multi_reduction <add>, %mul3A_11, %reduce_sum3A_12 [0] : vector<3x4096xf32> to vector<4096xf32>
    %broadcast_in_dim3A_14 = vector.shape_cast %reduce_sum3A_13 : vector<4096xf32> to vector<1x4096xf32>
    %mul3A_15 = arith.constant -2.000000e+00 : f32
    %mul3A_16 = vector.broadcast %mul3A_15 : f32 to vector<512x4096xf32>
    %mul3A_17 = arith.mulf %mul3A_16, %dot_general3A_9 : vector<512x4096xf32>
    %add3A = vector.broadcast %broadcast_in_dim3A : vector<512x1xf32> to vector<512x4096xf32>
    %add3A_18 = arith.addf %mul3A_17, %add3A : vector<512x4096xf32>
    %add3A_19 = vector.broadcast %broadcast_in_dim3A_14 : vector<1x4096xf32> to vector<512x4096xf32>
    %add3A_20 = arith.addf %add3A_18, %add3A_19 : vector<512x4096xf32>
    %neg3A = arith.constant 0.000000e+00 : f32
    %neg3A_21 = vector.broadcast %neg3A : f32 to vector<512x4096xf32>
    %neg3A_22 = arith.subf %neg3A_21, %add3A_20 : vector<512x4096xf32>
    %div3A = arith.constant 5.000000e-03 : f32
    %div3A_23 = vector.broadcast %div3A : f32 to vector<512x4096xf32>
    %div3A_24 = arith.divf %neg3A_22, %div3A_23 : vector<512x4096xf32>
    %exp3A = math.exp %div3A_24 : vector<512x4096xf32>
    %div3A_25 = arith.constant 1.250000e-01 : f32
    %div3A_26 = vector.broadcast %div3A_25 : f32 to vector<512x4096xf32>
    %div3A_27 = arith.divf %exp3A, %div3A_26 : vector<512x4096xf32>
    %reduce_sum3A_28 = arith.constant dense<0.000000e+00> : vector<512xf32>
    %reduce_sum3A_29 = vector.multi_reduction <add>, %div3A_27, %reduce_sum3A_28 [1] : vector<512x4096xf32> to vector<512xf32>
    %div3A_30 = arith.constant 4.096000e+03 : f32
    %div3A_31 = vector.broadcast %div3A_30 : f32 to vector<512xf32>
    %div3A_32 = arith.divf %reduce_sum3A_29, %div3A_31 : vector<512xf32>
    %broadcast_in_dim3A_33 = vector.shape_cast %div3A_32 : vector<512xf32> to vector<1x512xf32>
    %swap3A = arith.constant 0 : index
    %swap3A_34 = arith.constant 0 : index
    %swap3A_35 = arith.constant 0 : index
    %swap3A_36 = vector.load %arg4[%swap3A, %swap3A_34, %swap3A_35] : memref<1x1x512xf32, #tpu.memory_space<vmem>>, vector<1x1x512xf32>
    %swap3A_37 = vector.shape_cast %swap3A_36 : vector<1x1x512xf32> to vector<1x512xf32>
    %swap3A_38 = vector.shape_cast %broadcast_in_dim3A_33 : vector<1x512xf32> to vector<1x1x512xf32>
    tpu.vector_store %arg4[%swap3A, %swap3A_34, %swap3A_35], %swap3A_38 {strides = array<i32>} : memref<1x1x512xf32, #tpu.memory_space<vmem>>, vector<1x1x512xf32>,
    return
  }
  func.func @transform_0(%arg0: i32, %arg1: i32) -> (i32, i32, i32) {
    %c0_i32 = arith.constant 0 : i32
    %c0_i32_0 = arith.constant 0 : i32
    %c0_i32_1 = arith.constant 0 : i32
    return %arg0, %c0_i32, %c0_i32_0 : i32, i32, i32
  }
  func.func @transform_1(%arg0: i32, %arg1: i32) -> (i32, i32, i32) {
    %c0_i32 = arith.constant 0 : i32
    %c0_i32_0 = arith.constant 0 : i32
    return %arg0, %arg1, %c0_i32 : i32, i32, i32
  }
  func.func @transform_2(%arg0: i32, %arg1: i32) -> (i32, i32, i32) {
    %c0_i32 = arith.constant 0 : i32
    %c0_i32_0 = arith.constant 0 : i32
    return %arg0, %c0_i32, %arg1 : i32, i32, i32
  }
}

module attributes {stable_mosaic.version = 14 : i64} {
  func.func @_knn_body(%arg0: i32, %arg1: i32, %arg2: memref<1x3x4096xf32, #tpu.memory_space<vmem>>, %arg3: memref<1x256x3xf32, #tpu.memory_space<vmem>>, %arg4: memref<1x256x38xi32, #tpu.memory_space<vmem>>) attributes {dimension_semantics = [#tpu.dimension_semantics<arbitrary>, #tpu.dimension_semantics<arbitrary>], iteration_bounds = array<i64: 4, 4>, scalar_prefetch = 0 : i64, scratch_operands = 0 : i64, tpu.core_type = #tpu.core_type<tc>, window_params = [{transform_indices = @transform_0, window_bounds = array<i64: 1, 3, 4096>}, {transform_indices = @transform_1, window_bounds = array<i64: 1, 256, 3>}, {transform_indices = @transform_2, window_bounds = array<i64: 1, 256, 38>}]} {
    %get3A = arith.constant 0 : index
    %get3A_0 = arith.constant 0 : index
    %get3A_1 = arith.constant 0 : index
    %get3A_2 = vector.load %arg3[%get3A, %get3A_0, %get3A_1] : memref<1x256x3xf32, #tpu.memory_space<vmem>>, vector<1x256x3xf32>
    %get3A_3 = vector.shape_cast %get3A_2 : vector<1x256x3xf32> to vector<256x3xf32>
    %get3A_4 = arith.constant 0 : index
    %get3A_5 = arith.constant 0 : index
    %get3A_6 = arith.constant 0 : index
    %get3A_7 = vector.load %arg2[%get3A_4, %get3A_5, %get3A_6] : memref<1x3x4096xf32, #tpu.memory_space<vmem>>, vector<1x3x4096xf32>
    %get3A_8 = vector.shape_cast %get3A_7 : vector<1x3x4096xf32> to vector<3x4096xf32>
    %dot_general3A = arith.constant dense<0.000000e+00> : vector<256x4096xf32>
    %dot_general3A_9 = tpu.matmul %get3A_3, %get3A_8, %dot_general3A {dimension_numbers = #tpu.dot_dimension_numbers<[1], [0], [0], [1], [0, 0, 1, 1], [], []>, transpose_lhs_hint = false} : vector<256x3xf32>, vector<3x4096xf32>, vector<256x4096xf32> -> vector<256x4096xf32>
    %mul3A = arith.mulf %get3A_3, %get3A_3 : vector<256x3xf32>
    %reduce_sum3A = arith.constant dense<0.000000e+00> : vector<256xf32>
    %reduce_sum3A_10 = vector.multi_reduction <add>, %mul3A, %reduce_sum3A [1] : vector<256x3xf32> to vector<256xf32>
    %broadcast_in_dim3A = vector.shape_cast %reduce_sum3A_10 : vector<256xf32> to vector<256x1xf32>
    %mul3A_11 = arith.mulf %get3A_8, %get3A_8 : vector<3x4096xf32>
    %reduce_sum3A_12 = arith.constant dense<0.000000e+00> : vector<4096xf32>
    %reduce_sum3A_13 = vector.multi_reduction <add>, %mul3A_11, %reduce_sum3A_12 [0] : vector<3x4096xf32> to vector<4096xf32>
    %broadcast_in_dim3A_14 = vector.shape_cast %reduce_sum3A_13 : vector<4096xf32> to vector<1x4096xf32>
    %mul3A_15 = arith.constant -2.000000e+00 : f32
    %mul3A_16 = vector.broadcast %mul3A_15 : f32 to vector<256x4096xf32>
    %mul3A_17 = arith.mulf %mul3A_16, %dot_general3A_9 : vector<256x4096xf32>
    %add3A = vector.broadcast %broadcast_in_dim3A : vector<256x1xf32> to vector<256x4096xf32>
    %add3A_18 = arith.addf %mul3A_17, %add3A : vector<256x4096xf32>
    %add3A_19 = vector.broadcast %broadcast_in_dim3A_14 : vector<1x4096xf32> to vector<256x4096xf32>
    %add3A_20 = arith.addf %add3A_18, %add3A_19 : vector<256x4096xf32>
    %iota3A = tpu.iota {dimensions = array<i32: 1>} : vector<256x4096xi32>
    %iota3A_21 = tpu.iota {dimensions = array<i32: 1>} : vector<256x38xi32>
    %get3A_22 = arith.constant 0 : index
    %get3A_23 = arith.constant 0 : index
    %get3A_24 = arith.constant 0 : index
    %get3A_25 = vector.load %arg4[%get3A_22, %get3A_23, %get3A_24] : memref<1x256x38xi32, #tpu.memory_space<vmem>>, vector<1x256x38xi32>
    %get3A_26 = vector.shape_cast %get3A_25 : vector<1x256x38xi32> to vector<256x38xi32>
    %scan3A = arith.constant 0 : i32
    %scan3A_27 = arith.constant 38 : i32
    %scan3A_28 = arith.addi %scan3A, %scan3A_27 : i32
    %scan3A_29 = arith.constant 1 : i32
    %scan3A_30:2 = scf.for %scan3A_37 = %scan3A to %scan3A_28 step %scan3A_29 iter_args(%scan3A_38 = %add3A_20, %scan3A_39 = %get3A_26) -> (vector<256x4096xf32>, vector<256x38xi32>)  : i32 {
      %argmin3A = tpu.reduce_index %scan3A_38 {axis = 1 : i32, kind = #tpu.reduction_kind<arg_min>} : vector<256x4096xf32> -> vector<256xi32>
      %broadcast_in_dim3A_40 = vector.shape_cast %argmin3A : vector<256xi32> to vector<256x1xi32>
      %eq3A = vector.broadcast %scan3A_37 : i32 to vector<256x38xi32>
      %eq3A_41 = arith.cmpi eq, %iota3A_21, %eq3A : vector<256x38xi32>
      %broadcast_in_dim3A_42 = vector.shape_cast %broadcast_in_dim3A_40 : vector<256x1xi32> to vector<256x1xi32>
      %broadcast_in_dim3A_43 = vector.broadcast %broadcast_in_dim3A_42 : vector<256x1xi32> to vector<256x38xi32>
      %select_n3A = arith.select %eq3A_41, %broadcast_in_dim3A_43, %scan3A_39 : vector<256x38xi1>, vector<256x38xi32>
      %eq3A_44 = vector.broadcast %broadcast_in_dim3A_40 : vector<256x1xi32> to vector<256x4096xi32>
      %eq3A_45 = arith.cmpi eq, %iota3A, %eq3A_44 : vector<256x4096xi32>
      %jit3A = arith.constant 0x7F800000 : f32
      %broadcast_in_dim3A_46 = vector.broadcast %jit3A : f32 to vector<256x4096xf32>
      %select_n3A_47 = arith.select %eq3A_45, %broadcast_in_dim3A_46, %scan3A_38 : vector<256x4096xi1>, vector<256x4096xf32>
      scf.yield %select_n3A_47, %select_n3A : vector<256x4096xf32>, vector<256x38xi32>
    }
    %scan3A_31 = arith.constant 38 : i32
    %swap3A = arith.constant 0 : index
    %swap3A_32 = arith.constant 0 : index
    %swap3A_33 = arith.constant 0 : index
    %swap3A_34 = vector.load %arg4[%swap3A, %swap3A_32, %swap3A_33] : memref<1x256x38xi32, #tpu.memory_space<vmem>>, vector<1x256x38xi32>
    %swap3A_35 = vector.shape_cast %swap3A_34 : vector<1x256x38xi32> to vector<256x38xi32>
    %swap3A_36 = vector.shape_cast %scan3A_30#1 : vector<256x38xi32> to vector<1x256x38xi32>
    tpu.vector_store %arg4[%swap3A, %swap3A_32, %swap3A_33], %swap3A_36 {strides = array<i32>} : memref<1x256x38xi32, #tpu.memory_space<vmem>>, vector<1x256x38xi32>,
    return
  }
  func.func @transform_0(%arg0: i32, %arg1: i32) -> (i32, i32, i32) {
    %c0_i32 = arith.constant 0 : i32
    %c0_i32_0 = arith.constant 0 : i32
    %c0_i32_1 = arith.constant 0 : i32
    return %arg0, %c0_i32, %c0_i32_0 : i32, i32, i32
  }
  func.func @transform_1(%arg0: i32, %arg1: i32) -> (i32, i32, i32) {
    %c0_i32 = arith.constant 0 : i32
    %c0_i32_0 = arith.constant 0 : i32
    return %arg0, %arg1, %c0_i32 : i32, i32, i32
  }
  func.func @transform_2(%arg0: i32, %arg1: i32) -> (i32, i32, i32) {
    %c0_i32 = arith.constant 0 : i32
    %c0_i32_0 = arith.constant 0 : i32
    return %arg0, %arg1, %c0_i32 : i32, i32, i32
  }
}

module attributes {stable_mosaic.version = 14 : i64} {
  func.func @_fps_body(%arg0: memref<4x3x1024xf32, #tpu.memory_space<vmem>>, %arg1: memref<4x256xi32, #tpu.memory_space<vmem>>) attributes {dimension_semantics = [], scalar_prefetch = 0 : i64, scratch_operands = 0 : i64, tpu.core_type = #tpu.core_type<tc>} {
    %get3A = arith.constant 0 : index
    %get3A_0 = arith.constant 0 : index
    %get3A_1 = arith.constant 0 : index
    %get3A_2 = vector.load %arg0[%get3A, %get3A_0, %get3A_1] : memref<4x3x1024xf32, #tpu.memory_space<vmem>>, vector<4x1x1024xf32>
    %get3A_3 = vector.shape_cast %get3A_2 : vector<4x1x1024xf32> to vector<4x1024xf32>
    %get3A_4 = arith.constant 0 : index
    %get3A_5 = arith.constant 1 : index
    %get3A_6 = arith.constant 0 : index
    %get3A_7 = vector.load %arg0[%get3A_4, %get3A_5, %get3A_6] : memref<4x3x1024xf32, #tpu.memory_space<vmem>>, vector<4x1x1024xf32>
    %get3A_8 = vector.shape_cast %get3A_7 : vector<4x1x1024xf32> to vector<4x1024xf32>
    %get3A_9 = arith.constant 0 : index
    %get3A_10 = arith.constant 2 : index
    %get3A_11 = arith.constant 0 : index
    %get3A_12 = vector.load %arg0[%get3A_9, %get3A_10, %get3A_11] : memref<4x3x1024xf32, #tpu.memory_space<vmem>>, vector<4x1x1024xf32>
    %get3A_13 = vector.shape_cast %get3A_12 : vector<4x1x1024xf32> to vector<4x1024xf32>
    %iota3A = tpu.iota {dimensions = array<i32: 1>} : vector<4x1024xi32>
    %iota3A_14 = tpu.iota {dimensions = array<i32: 1>} : vector<4x256xi32>
    %get3A_15 = arith.constant 0 : index
    %get3A_16 = arith.constant 0 : index
    %get3A_17 = vector.load %arg1[%get3A_15, %get3A_16] : memref<4x256xi32, #tpu.memory_space<vmem>>, vector<4x256xi32>
    %mul3A = arith.constant 0.000000e+00 : f32
    %mul3A_18 = vector.broadcast %mul3A : f32 to vector<4x1024xf32>
    %mul3A_19 = arith.mulf %get3A_3, %mul3A_18 : vector<4x1024xf32>
    %add3A = arith.constant 1.000000e+10 : f32
    %add3A_20 = vector.broadcast %add3A : f32 to vector<4x1024xf32>
    %add3A_21 = arith.addf %mul3A_19, %add3A_20 : vector<4x1024xf32>
    %slice3A = vector.extract_strided_slice %get3A_17 {offsets = [0, 0], sizes = [4, 1], strides = [1, 1]} : vector<4x256xi32> to vector<4x1xi32>
    %mul3A_22 = arith.constant 0 : i32
    %mul3A_23 = vector.broadcast %mul3A_22 : i32 to vector<4x1xi32>
    %mul3A_24 = arith.muli %slice3A, %mul3A_23 : vector<4x1xi32>
    %scan3A = arith.constant 0 : i32
    %scan3A_25 = arith.constant 256 : i32
    %scan3A_26 = arith.addi %scan3A, %scan3A_25 : i32
    %scan3A_27 = arith.constant 1 : i32
    %scan3A_28:3 = scf.for %scan3A_32 = %scan3A to %scan3A_26 step %scan3A_27 iter_args(%scan3A_33 = %get3A_17, %scan3A_34 = %add3A_21, %scan3A_35 = %mul3A_24) -> (vector<4x256xi32>, vector<4x1024xf32>, vector<4x1xi32>)  : i32 {
      %eq3A = vector.broadcast %scan3A_32 : i32 to vector<4x256xi32>
      %eq3A_36 = arith.cmpi eq, %iota3A_14, %eq3A : vector<4x256xi32>
      %broadcast_in_dim3A = vector.shape_cast %scan3A_35 : vector<4x1xi32> to vector<4x1xi32>
      %broadcast_in_dim3A_37 = vector.broadcast %broadcast_in_dim3A : vector<4x1xi32> to vector<4x256xi32>
      %select_n3A = arith.select %eq3A_36, %broadcast_in_dim3A_37, %scan3A_33 : vector<4x256xi1>, vector<4x256xi32>
      %eq3A_38 = vector.broadcast %scan3A_35 : vector<4x1xi32> to vector<4x1024xi32>
      %eq3A_39 = arith.cmpi eq, %iota3A, %eq3A_38 : vector<4x1024xi32>
      %convert_element_type3A = arith.extui %eq3A_39 : vector<4x1024xi1> to vector<4x1024xi32>
      %convert_element_type3A_40 = arith.sitofp %convert_element_type3A : vector<4x1024xi32> to vector<4x1024xf32>
      %mul3A_41 = arith.mulf %get3A_3, %convert_element_type3A_40 : vector<4x1024xf32>
      %reduce_sum3A = arith.constant dense<0.000000e+00> : vector<4xf32>
      %reduce_sum3A_42 = vector.multi_reduction <add>, %mul3A_41, %reduce_sum3A [1] : vector<4x1024xf32> to vector<4xf32>
      %broadcast_in_dim3A_43 = vector.shape_cast %reduce_sum3A_42 : vector<4xf32> to vector<4x1xf32>
      %sub3A = vector.broadcast %broadcast_in_dim3A_43 : vector<4x1xf32> to vector<4x1024xf32>
      %sub3A_44 = arith.subf %get3A_3, %sub3A : vector<4x1024xf32>
      %mul3A_45 = arith.mulf %sub3A_44, %sub3A_44 : vector<4x1024xf32>
      %mul3A_46 = arith.mulf %get3A_8, %convert_element_type3A_40 : vector<4x1024xf32>
      %reduce_sum3A_47 = arith.constant dense<0.000000e+00> : vector<4xf32>
      %reduce_sum3A_48 = vector.multi_reduction <add>, %mul3A_46, %reduce_sum3A_47 [1] : vector<4x1024xf32> to vector<4xf32>
      %broadcast_in_dim3A_49 = vector.shape_cast %reduce_sum3A_48 : vector<4xf32> to vector<4x1xf32>
      %sub3A_50 = vector.broadcast %broadcast_in_dim3A_49 : vector<4x1xf32> to vector<4x1024xf32>
      %sub3A_51 = arith.subf %get3A_8, %sub3A_50 : vector<4x1024xf32>
      %mul3A_52 = arith.mulf %sub3A_51, %sub3A_51 : vector<4x1024xf32>
      %add3A_53 = arith.addf %mul3A_45, %mul3A_52 : vector<4x1024xf32>
      %mul3A_54 = arith.mulf %get3A_13, %convert_element_type3A_40 : vector<4x1024xf32>
      %reduce_sum3A_55 = arith.constant dense<0.000000e+00> : vector<4xf32>
      %reduce_sum3A_56 = vector.multi_reduction <add>, %mul3A_54, %reduce_sum3A_55 [1] : vector<4x1024xf32> to vector<4xf32>
      %broadcast_in_dim3A_57 = vector.shape_cast %reduce_sum3A_56 : vector<4xf32> to vector<4x1xf32>
      %sub3A_58 = vector.broadcast %broadcast_in_dim3A_57 : vector<4x1xf32> to vector<4x1024xf32>
      %sub3A_59 = arith.subf %get3A_13, %sub3A_58 : vector<4x1024xf32>
      %mul3A_60 = arith.mulf %sub3A_59, %sub3A_59 : vector<4x1024xf32>
      %add3A_61 = arith.addf %add3A_53, %mul3A_60 : vector<4x1024xf32>
      %min3A = arith.minimumf %scan3A_34, %add3A_61 : vector<4x1024xf32>
      %argmax3A = tpu.reduce_index %min3A {axis = 1 : i32, kind = #tpu.reduction_kind<arg_max>} : vector<4x1024xf32> -> vector<4xi32>
      %broadcast_in_dim3A_62 = vector.shape_cast %argmax3A : vector<4xi32> to vector<4x1xi32>
      scf.yield %select_n3A, %min3A, %broadcast_in_dim3A_62 : vector<4x256xi32>, vector<4x1024xf32>, vector<4x1xi32>
    }
    %scan3A_29 = arith.constant 256 : i32
    %swap3A = arith.constant 0 : index
    %swap3A_30 = arith.constant 0 : index
    %swap3A_31 = vector.load %arg1[%swap3A, %swap3A_30] : memref<4x256xi32, #tpu.memory_space<vmem>>, vector<4x256xi32>
    tpu.vector_store %arg1[%swap3A, %swap3A_30], %scan3A_28#0 {strides = array<i32>} : memref<4x256xi32, #tpu.memory_space<vmem>>, vector<4x256xi32>,
    return
  }
}

module attributes {stable_mosaic.version = 14 : i64} {
  func.func @_knn_body(%arg0: i32, %arg1: i32, %arg2: memref<1x3x1024xf32, #tpu.memory_space<vmem>>, %arg3: memref<1x256x3xf32, #tpu.memory_space<vmem>>, %arg4: memref<1x256x38xi32, #tpu.memory_space<vmem>>) attributes {dimension_semantics = [#tpu.dimension_semantics<arbitrary>, #tpu.dimension_semantics<arbitrary>], iteration_bounds = array<i64: 4, 1>, scalar_prefetch = 0 : i64, scratch_operands = 0 : i64, tpu.core_type = #tpu.core_type<tc>, window_params = [{transform_indices = @transform_0, window_bounds = array<i64: 1, 3, 1024>}, {transform_indices = @transform_1, window_bounds = array<i64: 1, 256, 3>}, {transform_indices = @transform_2, window_bounds = array<i64: 1, 256, 38>}]} {
    %get3A = arith.constant 0 : index
    %get3A_0 = arith.constant 0 : index
    %get3A_1 = arith.constant 0 : index
    %get3A_2 = vector.load %arg3[%get3A, %get3A_0, %get3A_1] : memref<1x256x3xf32, #tpu.memory_space<vmem>>, vector<1x256x3xf32>
    %get3A_3 = vector.shape_cast %get3A_2 : vector<1x256x3xf32> to vector<256x3xf32>
    %get3A_4 = arith.constant 0 : index
    %get3A_5 = arith.constant 0 : index
    %get3A_6 = arith.constant 0 : index
    %get3A_7 = vector.load %arg2[%get3A_4, %get3A_5, %get3A_6] : memref<1x3x1024xf32, #tpu.memory_space<vmem>>, vector<1x3x1024xf32>
    %get3A_8 = vector.shape_cast %get3A_7 : vector<1x3x1024xf32> to vector<3x1024xf32>
    %dot_general3A = arith.constant dense<0.000000e+00> : vector<256x1024xf32>
    %dot_general3A_9 = tpu.matmul %get3A_3, %get3A_8, %dot_general3A {dimension_numbers = #tpu.dot_dimension_numbers<[1], [0], [0], [1], [0, 0, 1, 1], [], []>, transpose_lhs_hint = false} : vector<256x3xf32>, vector<3x1024xf32>, vector<256x1024xf32> -> vector<256x1024xf32>
    %mul3A = arith.mulf %get3A_3, %get3A_3 : vector<256x3xf32>
    %reduce_sum3A = arith.constant dense<0.000000e+00> : vector<256xf32>
    %reduce_sum3A_10 = vector.multi_reduction <add>, %mul3A, %reduce_sum3A [1] : vector<256x3xf32> to vector<256xf32>
    %broadcast_in_dim3A = vector.shape_cast %reduce_sum3A_10 : vector<256xf32> to vector<256x1xf32>
    %mul3A_11 = arith.mulf %get3A_8, %get3A_8 : vector<3x1024xf32>
    %reduce_sum3A_12 = arith.constant dense<0.000000e+00> : vector<1024xf32>
    %reduce_sum3A_13 = vector.multi_reduction <add>, %mul3A_11, %reduce_sum3A_12 [0] : vector<3x1024xf32> to vector<1024xf32>
    %broadcast_in_dim3A_14 = vector.shape_cast %reduce_sum3A_13 : vector<1024xf32> to vector<1x1024xf32>
    %mul3A_15 = arith.constant -2.000000e+00 : f32
    %mul3A_16 = vector.broadcast %mul3A_15 : f32 to vector<256x1024xf32>
    %mul3A_17 = arith.mulf %mul3A_16, %dot_general3A_9 : vector<256x1024xf32>
    %add3A = vector.broadcast %broadcast_in_dim3A : vector<256x1xf32> to vector<256x1024xf32>
    %add3A_18 = arith.addf %mul3A_17, %add3A : vector<256x1024xf32>
    %add3A_19 = vector.broadcast %broadcast_in_dim3A_14 : vector<1x1024xf32> to vector<256x1024xf32>
    %add3A_20 = arith.addf %add3A_18, %add3A_19 : vector<256x1024xf32>
    %iota3A = tpu.iota {dimensions = array<i32: 1>} : vector<256x1024xi32>
    %iota3A_21 = tpu.iota {dimensions = array<i32: 1>} : vector<256x38xi32>
    %get3A_22 = arith.constant 0 : index
    %get3A_23 = arith.constant 0 : index
    %get3A_24 = arith.constant 0 : index
    %get3A_25 = vector.load %arg4[%get3A_22, %get3A_23, %get3A_24] : memref<1x256x38xi32, #tpu.memory_space<vmem>>, vector<1x256x38xi32>
    %get3A_26 = vector.shape_cast %get3A_25 : vector<1x256x38xi32> to vector<256x38xi32>
    %scan3A = arith.constant 0 : i32
    %scan3A_27 = arith.constant 38 : i32
    %scan3A_28 = arith.addi %scan3A, %scan3A_27 : i32
    %scan3A_29 = arith.constant 1 : i32
    %scan3A_30:2 = scf.for %scan3A_37 = %scan3A to %scan3A_28 step %scan3A_29 iter_args(%scan3A_38 = %add3A_20, %scan3A_39 = %get3A_26) -> (vector<256x1024xf32>, vector<256x38xi32>)  : i32 {
      %argmin3A = tpu.reduce_index %scan3A_38 {axis = 1 : i32, kind = #tpu.reduction_kind<arg_min>} : vector<256x1024xf32> -> vector<256xi32>
      %broadcast_in_dim3A_40 = vector.shape_cast %argmin3A : vector<256xi32> to vector<256x1xi32>
      %eq3A = vector.broadcast %scan3A_37 : i32 to vector<256x38xi32>
      %eq3A_41 = arith.cmpi eq, %iota3A_21, %eq3A : vector<256x38xi32>
      %broadcast_in_dim3A_42 = vector.shape_cast %broadcast_in_dim3A_40 : vector<256x1xi32> to vector<256x1xi32>
      %broadcast_in_dim3A_43 = vector.broadcast %broadcast_in_dim3A_42 : vector<256x1xi32> to vector<256x38xi32>
      %select_n3A = arith.select %eq3A_41, %broadcast_in_dim3A_43, %scan3A_39 : vector<256x38xi1>, vector<256x38xi32>
      %eq3A_44 = vector.broadcast %broadcast_in_dim3A_40 : vector<256x1xi32> to vector<256x1024xi32>
      %eq3A_45 = arith.cmpi eq, %iota3A, %eq3A_44 : vector<256x1024xi32>
      %jit3A = arith.constant 0x7F800000 : f32
      %broadcast_in_dim3A_46 = vector.broadcast %jit3A : f32 to vector<256x1024xf32>
      %select_n3A_47 = arith.select %eq3A_45, %broadcast_in_dim3A_46, %scan3A_38 : vector<256x1024xi1>, vector<256x1024xf32>
      scf.yield %select_n3A_47, %select_n3A : vector<256x1024xf32>, vector<256x38xi32>
    }
    %scan3A_31 = arith.constant 38 : i32
    %swap3A = arith.constant 0 : index
    %swap3A_32 = arith.constant 0 : index
    %swap3A_33 = arith.constant 0 : index
    %swap3A_34 = vector.load %arg4[%swap3A, %swap3A_32, %swap3A_33] : memref<1x256x38xi32, #tpu.memory_space<vmem>>, vector<1x256x38xi32>
    %swap3A_35 = vector.shape_cast %swap3A_34 : vector<1x256x38xi32> to vector<256x38xi32>
    %swap3A_36 = vector.shape_cast %scan3A_30#1 : vector<256x38xi32> to vector<1x256x38xi32>
    tpu.vector_store %arg4[%swap3A, %swap3A_32, %swap3A_33], %swap3A_36 {strides = array<i32>} : memref<1x256x38xi32, #tpu.memory_space<vmem>>, vector<1x256x38xi32>,
    return
  }
  func.func @transform_0(%arg0: i32, %arg1: i32) -> (i32, i32, i32) {
    %c0_i32 = arith.constant 0 : i32
    %c0_i32_0 = arith.constant 0 : i32
    %c0_i32_1 = arith.constant 0 : i32
    return %arg0, %c0_i32, %c0_i32_0 : i32, i32, i32
  }
  func.func @transform_1(%arg0: i32, %arg1: i32) -> (i32, i32, i32) {
    %c0_i32 = arith.constant 0 : i32
    %c0_i32_0 = arith.constant 0 : i32
    return %arg0, %arg1, %c0_i32 : i32, i32, i32
  }
  func.func @transform_2(%arg0: i32, %arg1: i32) -> (i32, i32, i32) {
    %c0_i32 = arith.constant 0 : i32
    %c0_i32_0 = arith.constant 0 : i32
    return %arg0, %arg1, %c0_i32 : i32, i32, i32
  }
}

module attributes {stable_mosaic.version = 14 : i64} {
  func.func @_density_body(%arg0: i32, %arg1: i32, %arg2: memref<1x3x1024xf32, #tpu.memory_space<vmem>>, %arg3: memref<1x512x3xf32, #tpu.memory_space<vmem>>, %arg4: memref<1x1x512xf32, #tpu.memory_space<vmem>>) attributes {dimension_semantics = [#tpu.dimension_semantics<arbitrary>, #tpu.dimension_semantics<arbitrary>], iteration_bounds = array<i64: 4, 2>, scalar_prefetch = 0 : i64, scratch_operands = 0 : i64, tpu.core_type = #tpu.core_type<tc>, window_params = [{transform_indices = @transform_0, window_bounds = array<i64: 1, 3, 1024>}, {transform_indices = @transform_1, window_bounds = array<i64: 1, 512, 3>}, {transform_indices = @transform_2, window_bounds = array<i64: 1, 1, 512>}]} {
    %get3A = arith.constant 0 : index
    %get3A_0 = arith.constant 0 : index
    %get3A_1 = arith.constant 0 : index
    %get3A_2 = vector.load %arg3[%get3A, %get3A_0, %get3A_1] : memref<1x512x3xf32, #tpu.memory_space<vmem>>, vector<1x512x3xf32>
    %get3A_3 = vector.shape_cast %get3A_2 : vector<1x512x3xf32> to vector<512x3xf32>
    %get3A_4 = arith.constant 0 : index
    %get3A_5 = arith.constant 0 : index
    %get3A_6 = arith.constant 0 : index
    %get3A_7 = vector.load %arg2[%get3A_4, %get3A_5, %get3A_6] : memref<1x3x1024xf32, #tpu.memory_space<vmem>>, vector<1x3x1024xf32>
    %get3A_8 = vector.shape_cast %get3A_7 : vector<1x3x1024xf32> to vector<3x1024xf32>
    %dot_general3A = arith.constant dense<0.000000e+00> : vector<512x1024xf32>
    %dot_general3A_9 = tpu.matmul %get3A_3, %get3A_8, %dot_general3A {dimension_numbers = #tpu.dot_dimension_numbers<[1], [0], [0], [1], [0, 0, 1, 1], [], []>, transpose_lhs_hint = false} : vector<512x3xf32>, vector<3x1024xf32>, vector<512x1024xf32> -> vector<512x1024xf32>
    %mul3A = arith.mulf %get3A_3, %get3A_3 : vector<512x3xf32>
    %reduce_sum3A = arith.constant dense<0.000000e+00> : vector<512xf32>
    %reduce_sum3A_10 = vector.multi_reduction <add>, %mul3A, %reduce_sum3A [1] : vector<512x3xf32> to vector<512xf32>
    %broadcast_in_dim3A = vector.shape_cast %reduce_sum3A_10 : vector<512xf32> to vector<512x1xf32>
    %mul3A_11 = arith.mulf %get3A_8, %get3A_8 : vector<3x1024xf32>
    %reduce_sum3A_12 = arith.constant dense<0.000000e+00> : vector<1024xf32>
    %reduce_sum3A_13 = vector.multi_reduction <add>, %mul3A_11, %reduce_sum3A_12 [0] : vector<3x1024xf32> to vector<1024xf32>
    %broadcast_in_dim3A_14 = vector.shape_cast %reduce_sum3A_13 : vector<1024xf32> to vector<1x1024xf32>
    %mul3A_15 = arith.constant -2.000000e+00 : f32
    %mul3A_16 = vector.broadcast %mul3A_15 : f32 to vector<512x1024xf32>
    %mul3A_17 = arith.mulf %mul3A_16, %dot_general3A_9 : vector<512x1024xf32>
    %add3A = vector.broadcast %broadcast_in_dim3A : vector<512x1xf32> to vector<512x1024xf32>
    %add3A_18 = arith.addf %mul3A_17, %add3A : vector<512x1024xf32>
    %add3A_19 = vector.broadcast %broadcast_in_dim3A_14 : vector<1x1024xf32> to vector<512x1024xf32>
    %add3A_20 = arith.addf %add3A_18, %add3A_19 : vector<512x1024xf32>
    %neg3A = arith.constant 0.000000e+00 : f32
    %neg3A_21 = vector.broadcast %neg3A : f32 to vector<512x1024xf32>
    %neg3A_22 = arith.subf %neg3A_21, %add3A_20 : vector<512x1024xf32>
    %div3A = arith.constant 2.000000e-02 : f32
    %div3A_23 = vector.broadcast %div3A : f32 to vector<512x1024xf32>
    %div3A_24 = arith.divf %neg3A_22, %div3A_23 : vector<512x1024xf32>
    %exp3A = math.exp %div3A_24 : vector<512x1024xf32>
    %div3A_25 = arith.constant 2.500000e-01 : f32
    %div3A_26 = vector.broadcast %div3A_25 : f32 to vector<512x1024xf32>
    %div3A_27 = arith.divf %exp3A, %div3A_26 : vector<512x1024xf32>
    %reduce_sum3A_28 = arith.constant dense<0.000000e+00> : vector<512xf32>
    %reduce_sum3A_29 = vector.multi_reduction <add>, %div3A_27, %reduce_sum3A_28 [1] : vector<512x1024xf32> to vector<512xf32>
    %div3A_30 = arith.constant 1.024000e+03 : f32
    %div3A_31 = vector.broadcast %div3A_30 : f32 to vector<512xf32>
    %div3A_32 = arith.divf %reduce_sum3A_29, %div3A_31 : vector<512xf32>
    %broadcast_in_dim3A_33 = vector.shape_cast %div3A_32 : vector<512xf32> to vector<1x512xf32>
    %swap3A = arith.constant 0 : index
    %swap3A_34 = arith.constant 0 : index
    %swap3A_35 = arith.constant 0 : index
    %swap3A_36 = vector.load %arg4[%swap3A, %swap3A_34, %swap3A_35] : memref<1x1x512xf32, #tpu.memory_space<vmem>>, vector<1x1x512xf32>
    %swap3A_37 = vector.shape_cast %swap3A_36 : vector<1x1x512xf32> to vector<1x512xf32>
    %swap3A_38 = vector.shape_cast %broadcast_in_dim3A_33 : vector<1x512xf32> to vector<1x1x512xf32>
    tpu.vector_store %arg4[%swap3A, %swap3A_34, %swap3A_35], %swap3A_38 {strides = array<i32>} : memref<1x1x512xf32, #tpu.memory_space<vmem>>, vector<1x1x512xf32>,
    return
  }
  func.func @transform_0(%arg0: i32, %arg1: i32) -> (i32, i32, i32) {
    %c0_i32 = arith.constant 0 : i32
    %c0_i32_0 = arith.constant 0 : i32
    %c0_i32_1 = arith.constant 0 : i32
    return %arg0, %c0_i32, %c0_i32_0 : i32, i32, i32
  }
  func.func @transform_1(%arg0: i32, %arg1: i32) -> (i32, i32, i32) {
    %c0_i32 = arith.constant 0 : i32
    %c0_i32_0 = arith.constant 0 : i32
    return %arg0, %arg1, %c0_i32 : i32, i32, i32
  }
  func.func @transform_2(%arg0: i32, %arg1: i32) -> (i32, i32, i32) {
    %c0_i32 = arith.constant 0 : i32
    %c0_i32_0 = arith.constant 0 : i32
    return %arg0, %c0_i32, %arg1 : i32, i32, i32
  }
}

module attributes {stable_mosaic.version = 14 : i64} {
  func.func @_fps_body(%arg0: memref<4x3x256xf32, #tpu.memory_space<vmem>>, %arg1: memref<4x64xi32, #tpu.memory_space<vmem>>) attributes {dimension_semantics = [], scalar_prefetch = 0 : i64, scratch_operands = 0 : i64, tpu.core_type = #tpu.core_type<tc>} {
    %get3A = arith.constant 0 : index
    %get3A_0 = arith.constant 0 : index
    %get3A_1 = arith.constant 0 : index
    %get3A_2 = vector.load %arg0[%get3A, %get3A_0, %get3A_1] : memref<4x3x256xf32, #tpu.memory_space<vmem>>, vector<4x1x256xf32>
    %get3A_3 = vector.shape_cast %get3A_2 : vector<4x1x256xf32> to vector<4x256xf32>
    %get3A_4 = arith.constant 0 : index
    %get3A_5 = arith.constant 1 : index
    %get3A_6 = arith.constant 0 : index
    %get3A_7 = vector.load %arg0[%get3A_4, %get3A_5, %get3A_6] : memref<4x3x256xf32, #tpu.memory_space<vmem>>, vector<4x1x256xf32>
    %get3A_8 = vector.shape_cast %get3A_7 : vector<4x1x256xf32> to vector<4x256xf32>
    %get3A_9 = arith.constant 0 : index
    %get3A_10 = arith.constant 2 : index
    %get3A_11 = arith.constant 0 : index
    %get3A_12 = vector.load %arg0[%get3A_9, %get3A_10, %get3A_11] : memref<4x3x256xf32, #tpu.memory_space<vmem>>, vector<4x1x256xf32>
    %get3A_13 = vector.shape_cast %get3A_12 : vector<4x1x256xf32> to vector<4x256xf32>
    %iota3A = tpu.iota {dimensions = array<i32: 1>} : vector<4x256xi32>
    %iota3A_14 = tpu.iota {dimensions = array<i32: 1>} : vector<4x64xi32>
    %get3A_15 = arith.constant 0 : index
    %get3A_16 = arith.constant 0 : index
    %get3A_17 = vector.load %arg1[%get3A_15, %get3A_16] : memref<4x64xi32, #tpu.memory_space<vmem>>, vector<4x64xi32>
    %mul3A = arith.constant 0.000000e+00 : f32
    %mul3A_18 = vector.broadcast %mul3A : f32 to vector<4x256xf32>
    %mul3A_19 = arith.mulf %get3A_3, %mul3A_18 : vector<4x256xf32>
    %add3A = arith.constant 1.000000e+10 : f32
    %add3A_20 = vector.broadcast %add3A : f32 to vector<4x256xf32>
    %add3A_21 = arith.addf %mul3A_19, %add3A_20 : vector<4x256xf32>
    %slice3A = vector.extract_strided_slice %get3A_17 {offsets = [0, 0], sizes = [4, 1], strides = [1, 1]} : vector<4x64xi32> to vector<4x1xi32>
    %mul3A_22 = arith.constant 0 : i32
    %mul3A_23 = vector.broadcast %mul3A_22 : i32 to vector<4x1xi32>
    %mul3A_24 = arith.muli %slice3A, %mul3A_23 : vector<4x1xi32>
    %scan3A = arith.constant 0 : i32
    %scan3A_25 = arith.constant 64 : i32
    %scan3A_26 = arith.addi %scan3A, %scan3A_25 : i32
    %scan3A_27 = arith.constant 1 : i32
    %scan3A_28:3 = scf.for %scan3A_32 = %scan3A to %scan3A_26 step %scan3A_27 iter_args(%scan3A_33 = %get3A_17, %scan3A_34 = %add3A_21, %scan3A_35 = %mul3A_24) -> (vector<4x64xi32>, vector<4x256xf32>, vector<4x1xi32>)  : i32 {
      %eq3A = vector.broadcast %scan3A_32 : i32 to vector<4x64xi32>
      %eq3A_36 = arith.cmpi eq, %iota3A_14, %eq3A : vector<4x64xi32>
      %broadcast_in_dim3A = vector.shape_cast %scan3A_35 : vector<4x1xi32> to vector<4x1xi32>
      %broadcast_in_dim3A_37 = vector.broadcast %broadcast_in_dim3A : vector<4x1xi32> to vector<4x64xi32>
      %select_n3A = arith.select %eq3A_36, %broadcast_in_dim3A_37, %scan3A_33 : vector<4x64xi1>, vector<4x64xi32>
      %eq3A_38 = vector.broadcast %scan3A_35 : vector<4x1xi32> to vector<4x256xi32>
      %eq3A_39 = arith.cmpi eq, %iota3A, %eq3A_38 : vector<4x256xi32>
      %convert_element_type3A = arith.extui %eq3A_39 : vector<4x256xi1> to vector<4x256xi32>
      %convert_element_type3A_40 = arith.sitofp %convert_element_type3A : vector<4x256xi32> to vector<4x256xf32>
      %mul3A_41 = arith.mulf %get3A_3, %convert_element_type3A_40 : vector<4x256xf32>
      %reduce_sum3A = arith.constant dense<0.000000e+00> : vector<4xf32>
      %reduce_sum3A_42 = vector.multi_reduction <add>, %mul3A_41, %reduce_sum3A [1] : vector<4x256xf32> to vector<4xf32>
      %broadcast_in_dim3A_43 = vector.shape_cast %reduce_sum3A_42 : vector<4xf32> to vector<4x1xf32>
      %sub3A = vector.broadcast %broadcast_in_dim3A_43 : vector<4x1xf32> to vector<4x256xf32>
      %sub3A_44 = arith.subf %get3A_3, %sub3A : vector<4x256xf32>
      %mul3A_45 = arith.mulf %sub3A_44, %sub3A_44 : vector<4x256xf32>
      %mul3A_46 = arith.mulf %get3A_8, %convert_element_type3A_40 : vector<4x256xf32>
      %reduce_sum3A_47 = arith.constant dense<0.000000e+00> : vector<4xf32>
      %reduce_sum3A_48 = vector.multi_reduction <add>, %mul3A_46, %reduce_sum3A_47 [1] : vector<4x256xf32> to vector<4xf32>
      %broadcast_in_dim3A_49 = vector.shape_cast %reduce_sum3A_48 : vector<4xf32> to vector<4x1xf32>
      %sub3A_50 = vector.broadcast %broadcast_in_dim3A_49 : vector<4x1xf32> to vector<4x256xf32>
      %sub3A_51 = arith.subf %get3A_8, %sub3A_50 : vector<4x256xf32>
      %mul3A_52 = arith.mulf %sub3A_51, %sub3A_51 : vector<4x256xf32>
      %add3A_53 = arith.addf %mul3A_45, %mul3A_52 : vector<4x256xf32>
      %mul3A_54 = arith.mulf %get3A_13, %convert_element_type3A_40 : vector<4x256xf32>
      %reduce_sum3A_55 = arith.constant dense<0.000000e+00> : vector<4xf32>
      %reduce_sum3A_56 = vector.multi_reduction <add>, %mul3A_54, %reduce_sum3A_55 [1] : vector<4x256xf32> to vector<4xf32>
      %broadcast_in_dim3A_57 = vector.shape_cast %reduce_sum3A_56 : vector<4xf32> to vector<4x1xf32>
      %sub3A_58 = vector.broadcast %broadcast_in_dim3A_57 : vector<4x1xf32> to vector<4x256xf32>
      %sub3A_59 = arith.subf %get3A_13, %sub3A_58 : vector<4x256xf32>
      %mul3A_60 = arith.mulf %sub3A_59, %sub3A_59 : vector<4x256xf32>
      %add3A_61 = arith.addf %add3A_53, %mul3A_60 : vector<4x256xf32>
      %min3A = arith.minimumf %scan3A_34, %add3A_61 : vector<4x256xf32>
      %argmax3A = tpu.reduce_index %min3A {axis = 1 : i32, kind = #tpu.reduction_kind<arg_max>} : vector<4x256xf32> -> vector<4xi32>
      %broadcast_in_dim3A_62 = vector.shape_cast %argmax3A : vector<4xi32> to vector<4x1xi32>
      scf.yield %select_n3A, %min3A, %broadcast_in_dim3A_62 : vector<4x64xi32>, vector<4x256xf32>, vector<4x1xi32>
    }
    %scan3A_29 = arith.constant 64 : i32
    %swap3A = arith.constant 0 : index
    %swap3A_30 = arith.constant 0 : index
    %swap3A_31 = vector.load %arg1[%swap3A, %swap3A_30] : memref<4x64xi32, #tpu.memory_space<vmem>>, vector<4x64xi32>
    tpu.vector_store %arg1[%swap3A, %swap3A_30], %scan3A_28#0 {strides = array<i32>} : memref<4x64xi32, #tpu.memory_space<vmem>>, vector<4x64xi32>,
    return
  }
}

module attributes {stable_mosaic.version = 14 : i64} {
  func.func @_density_body(%arg0: i32, %arg1: i32, %arg2: memref<1x3x256xf32, #tpu.memory_space<vmem>>, %arg3: memref<1x256x3xf32, #tpu.memory_space<vmem>>, %arg4: memref<1x1x256xf32, #tpu.memory_space<vmem>>) attributes {dimension_semantics = [#tpu.dimension_semantics<arbitrary>, #tpu.dimension_semantics<arbitrary>], iteration_bounds = array<i64: 4, 1>, scalar_prefetch = 0 : i64, scratch_operands = 0 : i64, tpu.core_type = #tpu.core_type<tc>, window_params = [{transform_indices = @transform_0, window_bounds = array<i64: 1, 3, 256>}, {transform_indices = @transform_1, window_bounds = array<i64: 1, 256, 3>}, {transform_indices = @transform_2, window_bounds = array<i64: 1, 1, 256>}]} {
    %get3A = arith.constant 0 : index
    %get3A_0 = arith.constant 0 : index
    %get3A_1 = arith.constant 0 : index
    %get3A_2 = vector.load %arg3[%get3A, %get3A_0, %get3A_1] : memref<1x256x3xf32, #tpu.memory_space<vmem>>, vector<1x256x3xf32>
    %get3A_3 = vector.shape_cast %get3A_2 : vector<1x256x3xf32> to vector<256x3xf32>
    %get3A_4 = arith.constant 0 : index
    %get3A_5 = arith.constant 0 : index
    %get3A_6 = arith.constant 0 : index
    %get3A_7 = vector.load %arg2[%get3A_4, %get3A_5, %get3A_6] : memref<1x3x256xf32, #tpu.memory_space<vmem>>, vector<1x3x256xf32>
    %get3A_8 = vector.shape_cast %get3A_7 : vector<1x3x256xf32> to vector<3x256xf32>
    %dot_general3A = arith.constant dense<0.000000e+00> : vector<256x256xf32>
    %dot_general3A_9 = tpu.matmul %get3A_3, %get3A_8, %dot_general3A {dimension_numbers = #tpu.dot_dimension_numbers<[1], [0], [0], [1], [0, 0, 1, 1], [], []>, transpose_lhs_hint = false} : vector<256x3xf32>, vector<3x256xf32>, vector<256x256xf32> -> vector<256x256xf32>
    %mul3A = arith.mulf %get3A_3, %get3A_3 : vector<256x3xf32>
    %reduce_sum3A = arith.constant dense<0.000000e+00> : vector<256xf32>
    %reduce_sum3A_10 = vector.multi_reduction <add>, %mul3A, %reduce_sum3A [1] : vector<256x3xf32> to vector<256xf32>
    %broadcast_in_dim3A = vector.shape_cast %reduce_sum3A_10 : vector<256xf32> to vector<256x1xf32>
    %mul3A_11 = arith.mulf %get3A_8, %get3A_8 : vector<3x256xf32>
    %reduce_sum3A_12 = arith.constant dense<0.000000e+00> : vector<256xf32>
    %reduce_sum3A_13 = vector.multi_reduction <add>, %mul3A_11, %reduce_sum3A_12 [0] : vector<3x256xf32> to vector<256xf32>
    %broadcast_in_dim3A_14 = vector.shape_cast %reduce_sum3A_13 : vector<256xf32> to vector<1x256xf32>
    %mul3A_15 = arith.constant -2.000000e+00 : f32
    %mul3A_16 = vector.broadcast %mul3A_15 : f32 to vector<256x256xf32>
    %mul3A_17 = arith.mulf %mul3A_16, %dot_general3A_9 : vector<256x256xf32>
    %add3A = vector.broadcast %broadcast_in_dim3A : vector<256x1xf32> to vector<256x256xf32>
    %add3A_18 = arith.addf %mul3A_17, %add3A : vector<256x256xf32>
    %add3A_19 = vector.broadcast %broadcast_in_dim3A_14 : vector<1x256xf32> to vector<256x256xf32>
    %add3A_20 = arith.addf %add3A_18, %add3A_19 : vector<256x256xf32>
    %neg3A = arith.constant 0.000000e+00 : f32
    %neg3A_21 = vector.broadcast %neg3A : f32 to vector<256x256xf32>
    %neg3A_22 = arith.subf %neg3A_21, %add3A_20 : vector<256x256xf32>
    %div3A = arith.constant 8.000000e-02 : f32
    %div3A_23 = vector.broadcast %div3A : f32 to vector<256x256xf32>
    %div3A_24 = arith.divf %neg3A_22, %div3A_23 : vector<256x256xf32>
    %exp3A = math.exp %div3A_24 : vector<256x256xf32>
    %div3A_25 = arith.constant 5.000000e-01 : f32
    %div3A_26 = vector.broadcast %div3A_25 : f32 to vector<256x256xf32>
    %div3A_27 = arith.divf %exp3A, %div3A_26 : vector<256x256xf32>
    %reduce_sum3A_28 = arith.constant dense<0.000000e+00> : vector<256xf32>
    %reduce_sum3A_29 = vector.multi_reduction <add>, %div3A_27, %reduce_sum3A_28 [1] : vector<256x256xf32> to vector<256xf32>
    %div3A_30 = arith.constant 2.560000e+02 : f32
    %div3A_31 = vector.broadcast %div3A_30 : f32 to vector<256xf32>
    %div3A_32 = arith.divf %reduce_sum3A_29, %div3A_31 : vector<256xf32>
    %broadcast_in_dim3A_33 = vector.shape_cast %div3A_32 : vector<256xf32> to vector<1x256xf32>
    %swap3A = arith.constant 0 : index
    %swap3A_34 = arith.constant 0 : index
    %swap3A_35 = arith.constant 0 : index
    %swap3A_36 = vector.load %arg4[%swap3A, %swap3A_34, %swap3A_35] : memref<1x1x256xf32, #tpu.memory_space<vmem>>, vector<1x1x256xf32>
    %swap3A_37 = vector.shape_cast %swap3A_36 : vector<1x1x256xf32> to vector<1x256xf32>
    %swap3A_38 = vector.shape_cast %broadcast_in_dim3A_33 : vector<1x256xf32> to vector<1x1x256xf32>
    tpu.vector_store %arg4[%swap3A, %swap3A_34, %swap3A_35], %swap3A_38 {strides = array<i32>} : memref<1x1x256xf32, #tpu.memory_space<vmem>>, vector<1x1x256xf32>,
    return
  }
  func.func @transform_0(%arg0: i32, %arg1: i32) -> (i32, i32, i32) {
    %c0_i32 = arith.constant 0 : i32
    %c0_i32_0 = arith.constant 0 : i32
    %c0_i32_1 = arith.constant 0 : i32
    return %arg0, %c0_i32, %c0_i32_0 : i32, i32, i32
  }
  func.func @transform_1(%arg0: i32, %arg1: i32) -> (i32, i32, i32) {
    %c0_i32 = arith.constant 0 : i32
    %c0_i32_0 = arith.constant 0 : i32
    return %arg0, %arg1, %c0_i32 : i32, i32, i32
  }
  func.func @transform_2(%arg0: i32, %arg1: i32) -> (i32, i32, i32) {
    %c0_i32 = arith.constant 0 : i32
    %c0_i32_0 = arith.constant 0 : i32
    return %arg0, %c0_i32, %arg1 : i32, i32, i32
  }
}

module attributes {stable_mosaic.version = 14 : i64} {
  func.func @_knn_body(%arg0: i32, %arg1: i32, %arg2: memref<1x3x256xf32, #tpu.memory_space<vmem>>, %arg3: memref<1x64x3xf32, #tpu.memory_space<vmem>>, %arg4: memref<1x64x38xi32, #tpu.memory_space<vmem>>) attributes {dimension_semantics = [#tpu.dimension_semantics<arbitrary>, #tpu.dimension_semantics<arbitrary>], iteration_bounds = array<i64: 4, 1>, scalar_prefetch = 0 : i64, scratch_operands = 0 : i64, tpu.core_type = #tpu.core_type<tc>, window_params = [{transform_indices = @transform_0, window_bounds = array<i64: 1, 3, 256>}, {transform_indices = @transform_1, window_bounds = array<i64: 1, 64, 3>}, {transform_indices = @transform_2, window_bounds = array<i64: 1, 64, 38>}]} {
    %get3A = arith.constant 0 : index
    %get3A_0 = arith.constant 0 : index
    %get3A_1 = arith.constant 0 : index
    %get3A_2 = vector.load %arg3[%get3A, %get3A_0, %get3A_1] : memref<1x64x3xf32, #tpu.memory_space<vmem>>, vector<1x64x3xf32>
    %get3A_3 = vector.shape_cast %get3A_2 : vector<1x64x3xf32> to vector<64x3xf32>
    %get3A_4 = arith.constant 0 : index
    %get3A_5 = arith.constant 0 : index
    %get3A_6 = arith.constant 0 : index
    %get3A_7 = vector.load %arg2[%get3A_4, %get3A_5, %get3A_6] : memref<1x3x256xf32, #tpu.memory_space<vmem>>, vector<1x3x256xf32>
    %get3A_8 = vector.shape_cast %get3A_7 : vector<1x3x256xf32> to vector<3x256xf32>
    %dot_general3A = arith.constant dense<0.000000e+00> : vector<64x256xf32>
    %dot_general3A_9 = tpu.matmul %get3A_3, %get3A_8, %dot_general3A {dimension_numbers = #tpu.dot_dimension_numbers<[1], [0], [0], [1], [0, 0, 1, 1], [], []>, transpose_lhs_hint = false} : vector<64x3xf32>, vector<3x256xf32>, vector<64x256xf32> -> vector<64x256xf32>
    %mul3A = arith.mulf %get3A_3, %get3A_3 : vector<64x3xf32>
    %reduce_sum3A = arith.constant dense<0.000000e+00> : vector<64xf32>
    %reduce_sum3A_10 = vector.multi_reduction <add>, %mul3A, %reduce_sum3A [1] : vector<64x3xf32> to vector<64xf32>
    %broadcast_in_dim3A = vector.shape_cast %reduce_sum3A_10 : vector<64xf32> to vector<64x1xf32>
    %mul3A_11 = arith.mulf %get3A_8, %get3A_8 : vector<3x256xf32>
    %reduce_sum3A_12 = arith.constant dense<0.000000e+00> : vector<256xf32>
    %reduce_sum3A_13 = vector.multi_reduction <add>, %mul3A_11, %reduce_sum3A_12 [0] : vector<3x256xf32> to vector<256xf32>
    %broadcast_in_dim3A_14 = vector.shape_cast %reduce_sum3A_13 : vector<256xf32> to vector<1x256xf32>
    %mul3A_15 = arith.constant -2.000000e+00 : f32
    %mul3A_16 = vector.broadcast %mul3A_15 : f32 to vector<64x256xf32>
    %mul3A_17 = arith.mulf %mul3A_16, %dot_general3A_9 : vector<64x256xf32>
    %add3A = vector.broadcast %broadcast_in_dim3A : vector<64x1xf32> to vector<64x256xf32>
    %add3A_18 = arith.addf %mul3A_17, %add3A : vector<64x256xf32>
    %add3A_19 = vector.broadcast %broadcast_in_dim3A_14 : vector<1x256xf32> to vector<64x256xf32>
    %add3A_20 = arith.addf %add3A_18, %add3A_19 : vector<64x256xf32>
    %iota3A = tpu.iota {dimensions = array<i32: 1>} : vector<64x256xi32>
    %iota3A_21 = tpu.iota {dimensions = array<i32: 1>} : vector<64x38xi32>
    %get3A_22 = arith.constant 0 : index
    %get3A_23 = arith.constant 0 : index
    %get3A_24 = arith.constant 0 : index
    %get3A_25 = vector.load %arg4[%get3A_22, %get3A_23, %get3A_24] : memref<1x64x38xi32, #tpu.memory_space<vmem>>, vector<1x64x38xi32>
    %get3A_26 = vector.shape_cast %get3A_25 : vector<1x64x38xi32> to vector<64x38xi32>
    %scan3A = arith.constant 0 : i32
    %scan3A_27 = arith.constant 38 : i32
    %scan3A_28 = arith.addi %scan3A, %scan3A_27 : i32
    %scan3A_29 = arith.constant 1 : i32
    %scan3A_30:2 = scf.for %scan3A_37 = %scan3A to %scan3A_28 step %scan3A_29 iter_args(%scan3A_38 = %add3A_20, %scan3A_39 = %get3A_26) -> (vector<64x256xf32>, vector<64x38xi32>)  : i32 {
      %argmin3A = tpu.reduce_index %scan3A_38 {axis = 1 : i32, kind = #tpu.reduction_kind<arg_min>} : vector<64x256xf32> -> vector<64xi32>
      %broadcast_in_dim3A_40 = vector.shape_cast %argmin3A : vector<64xi32> to vector<64x1xi32>
      %eq3A = vector.broadcast %scan3A_37 : i32 to vector<64x38xi32>
      %eq3A_41 = arith.cmpi eq, %iota3A_21, %eq3A : vector<64x38xi32>
      %broadcast_in_dim3A_42 = vector.shape_cast %broadcast_in_dim3A_40 : vector<64x1xi32> to vector<64x1xi32>
      %broadcast_in_dim3A_43 = vector.broadcast %broadcast_in_dim3A_42 : vector<64x1xi32> to vector<64x38xi32>
      %select_n3A = arith.select %eq3A_41, %broadcast_in_dim3A_43, %scan3A_39 : vector<64x38xi1>, vector<64x38xi32>
      %eq3A_44 = vector.broadcast %broadcast_in_dim3A_40 : vector<64x1xi32> to vector<64x256xi32>
      %eq3A_45 = arith.cmpi eq, %iota3A, %eq3A_44 : vector<64x256xi32>
      %jit3A = arith.constant 0x7F800000 : f32
      %broadcast_in_dim3A_46 = vector.broadcast %jit3A : f32 to vector<64x256xf32>
      %select_n3A_47 = arith.select %eq3A_45, %broadcast_in_dim3A_46, %scan3A_38 : vector<64x256xi1>, vector<64x256xf32>
      scf.yield %select_n3A_47, %select_n3A : vector<64x256xf32>, vector<64x38xi32>
    }
    %scan3A_31 = arith.constant 38 : i32
    %swap3A = arith.constant 0 : index
    %swap3A_32 = arith.constant 0 : index
    %swap3A_33 = arith.constant 0 : index
    %swap3A_34 = vector.load %arg4[%swap3A, %swap3A_32, %swap3A_33] : memref<1x64x38xi32, #tpu.memory_space<vmem>>, vector<1x64x38xi32>
    %swap3A_35 = vector.shape_cast %swap3A_34 : vector<1x64x38xi32> to vector<64x38xi32>
    %swap3A_36 = vector.shape_cast %scan3A_30#1 : vector<64x38xi32> to vector<1x64x38xi32>
    tpu.vector_store %arg4[%swap3A, %swap3A_32, %swap3A_33], %swap3A_36 {strides = array<i32>} : memref<1x64x38xi32, #tpu.memory_space<vmem>>, vector<1x64x38xi32>,
    return
  }
  func.func @transform_0(%arg0: i32, %arg1: i32) -> (i32, i32, i32) {
    %c0_i32 = arith.constant 0 : i32
    %c0_i32_0 = arith.constant 0 : i32
    %c0_i32_1 = arith.constant 0 : i32
    return %arg0, %c0_i32, %c0_i32_0 : i32, i32, i32
  }
  func.func @transform_1(%arg0: i32, %arg1: i32) -> (i32, i32, i32) {
    %c0_i32 = arith.constant 0 : i32
    %c0_i32_0 = arith.constant 0 : i32
    return %arg0, %arg1, %c0_i32 : i32, i32, i32
  }
  func.func @transform_2(%arg0: i32, %arg1: i32) -> (i32, i32, i32) {
    %c0_i32 = arith.constant 0 : i32
    %c0_i32_0 = arith.constant 0 : i32
    return %arg0, %arg1, %c0_i32 : i32, i32, i32
  }
}

module attributes {stable_mosaic.version = 14 : i64} {
  func.func @_fps_body(%arg0: memref<4x3x64xf32, #tpu.memory_space<vmem>>, %arg1: memref<4x36xi32, #tpu.memory_space<vmem>>) attributes {dimension_semantics = [], scalar_prefetch = 0 : i64, scratch_operands = 0 : i64, tpu.core_type = #tpu.core_type<tc>} {
    %get3A = arith.constant 0 : index
    %get3A_0 = arith.constant 0 : index
    %get3A_1 = arith.constant 0 : index
    %get3A_2 = vector.load %arg0[%get3A, %get3A_0, %get3A_1] : memref<4x3x64xf32, #tpu.memory_space<vmem>>, vector<4x1x64xf32>
    %get3A_3 = vector.shape_cast %get3A_2 : vector<4x1x64xf32> to vector<4x64xf32>
    %get3A_4 = arith.constant 0 : index
    %get3A_5 = arith.constant 1 : index
    %get3A_6 = arith.constant 0 : index
    %get3A_7 = vector.load %arg0[%get3A_4, %get3A_5, %get3A_6] : memref<4x3x64xf32, #tpu.memory_space<vmem>>, vector<4x1x64xf32>
    %get3A_8 = vector.shape_cast %get3A_7 : vector<4x1x64xf32> to vector<4x64xf32>
    %get3A_9 = arith.constant 0 : index
    %get3A_10 = arith.constant 2 : index
    %get3A_11 = arith.constant 0 : index
    %get3A_12 = vector.load %arg0[%get3A_9, %get3A_10, %get3A_11] : memref<4x3x64xf32, #tpu.memory_space<vmem>>, vector<4x1x64xf32>
    %get3A_13 = vector.shape_cast %get3A_12 : vector<4x1x64xf32> to vector<4x64xf32>
    %iota3A = tpu.iota {dimensions = array<i32: 1>} : vector<4x64xi32>
    %iota3A_14 = tpu.iota {dimensions = array<i32: 1>} : vector<4x36xi32>
    %get3A_15 = arith.constant 0 : index
    %get3A_16 = arith.constant 0 : index
    %get3A_17 = vector.load %arg1[%get3A_15, %get3A_16] : memref<4x36xi32, #tpu.memory_space<vmem>>, vector<4x36xi32>
    %mul3A = arith.constant 0.000000e+00 : f32
    %mul3A_18 = vector.broadcast %mul3A : f32 to vector<4x64xf32>
    %mul3A_19 = arith.mulf %get3A_3, %mul3A_18 : vector<4x64xf32>
    %add3A = arith.constant 1.000000e+10 : f32
    %add3A_20 = vector.broadcast %add3A : f32 to vector<4x64xf32>
    %add3A_21 = arith.addf %mul3A_19, %add3A_20 : vector<4x64xf32>
    %slice3A = vector.extract_strided_slice %get3A_17 {offsets = [0, 0], sizes = [4, 1], strides = [1, 1]} : vector<4x36xi32> to vector<4x1xi32>
    %mul3A_22 = arith.constant 0 : i32
    %mul3A_23 = vector.broadcast %mul3A_22 : i32 to vector<4x1xi32>
    %mul3A_24 = arith.muli %slice3A, %mul3A_23 : vector<4x1xi32>
    %scan3A = arith.constant 0 : i32
    %scan3A_25 = arith.constant 36 : i32
    %scan3A_26 = arith.addi %scan3A, %scan3A_25 : i32
    %scan3A_27 = arith.constant 1 : i32
    %scan3A_28:3 = scf.for %scan3A_32 = %scan3A to %scan3A_26 step %scan3A_27 iter_args(%scan3A_33 = %get3A_17, %scan3A_34 = %add3A_21, %scan3A_35 = %mul3A_24) -> (vector<4x36xi32>, vector<4x64xf32>, vector<4x1xi32>)  : i32 {
      %eq3A = vector.broadcast %scan3A_32 : i32 to vector<4x36xi32>
      %eq3A_36 = arith.cmpi eq, %iota3A_14, %eq3A : vector<4x36xi32>
      %broadcast_in_dim3A = vector.shape_cast %scan3A_35 : vector<4x1xi32> to vector<4x1xi32>
      %broadcast_in_dim3A_37 = vector.broadcast %broadcast_in_dim3A : vector<4x1xi32> to vector<4x36xi32>
      %select_n3A = arith.select %eq3A_36, %broadcast_in_dim3A_37, %scan3A_33 : vector<4x36xi1>, vector<4x36xi32>
      %eq3A_38 = vector.broadcast %scan3A_35 : vector<4x1xi32> to vector<4x64xi32>
      %eq3A_39 = arith.cmpi eq, %iota3A, %eq3A_38 : vector<4x64xi32>
      %convert_element_type3A = arith.extui %eq3A_39 : vector<4x64xi1> to vector<4x64xi32>
      %convert_element_type3A_40 = arith.sitofp %convert_element_type3A : vector<4x64xi32> to vector<4x64xf32>
      %mul3A_41 = arith.mulf %get3A_3, %convert_element_type3A_40 : vector<4x64xf32>
      %reduce_sum3A = arith.constant dense<0.000000e+00> : vector<4xf32>
      %reduce_sum3A_42 = vector.multi_reduction <add>, %mul3A_41, %reduce_sum3A [1] : vector<4x64xf32> to vector<4xf32>
      %broadcast_in_dim3A_43 = vector.shape_cast %reduce_sum3A_42 : vector<4xf32> to vector<4x1xf32>
      %sub3A = vector.broadcast %broadcast_in_dim3A_43 : vector<4x1xf32> to vector<4x64xf32>
      %sub3A_44 = arith.subf %get3A_3, %sub3A : vector<4x64xf32>
      %mul3A_45 = arith.mulf %sub3A_44, %sub3A_44 : vector<4x64xf32>
      %mul3A_46 = arith.mulf %get3A_8, %convert_element_type3A_40 : vector<4x64xf32>
      %reduce_sum3A_47 = arith.constant dense<0.000000e+00> : vector<4xf32>
      %reduce_sum3A_48 = vector.multi_reduction <add>, %mul3A_46, %reduce_sum3A_47 [1] : vector<4x64xf32> to vector<4xf32>
      %broadcast_in_dim3A_49 = vector.shape_cast %reduce_sum3A_48 : vector<4xf32> to vector<4x1xf32>
      %sub3A_50 = vector.broadcast %broadcast_in_dim3A_49 : vector<4x1xf32> to vector<4x64xf32>
      %sub3A_51 = arith.subf %get3A_8, %sub3A_50 : vector<4x64xf32>
      %mul3A_52 = arith.mulf %sub3A_51, %sub3A_51 : vector<4x64xf32>
      %add3A_53 = arith.addf %mul3A_45, %mul3A_52 : vector<4x64xf32>
      %mul3A_54 = arith.mulf %get3A_13, %convert_element_type3A_40 : vector<4x64xf32>
      %reduce_sum3A_55 = arith.constant dense<0.000000e+00> : vector<4xf32>
      %reduce_sum3A_56 = vector.multi_reduction <add>, %mul3A_54, %reduce_sum3A_55 [1] : vector<4x64xf32> to vector<4xf32>
      %broadcast_in_dim3A_57 = vector.shape_cast %reduce_sum3A_56 : vector<4xf32> to vector<4x1xf32>
      %sub3A_58 = vector.broadcast %broadcast_in_dim3A_57 : vector<4x1xf32> to vector<4x64xf32>
      %sub3A_59 = arith.subf %get3A_13, %sub3A_58 : vector<4x64xf32>
      %mul3A_60 = arith.mulf %sub3A_59, %sub3A_59 : vector<4x64xf32>
      %add3A_61 = arith.addf %add3A_53, %mul3A_60 : vector<4x64xf32>
      %min3A = arith.minimumf %scan3A_34, %add3A_61 : vector<4x64xf32>
      %argmax3A = tpu.reduce_index %min3A {axis = 1 : i32, kind = #tpu.reduction_kind<arg_max>} : vector<4x64xf32> -> vector<4xi32>
      %broadcast_in_dim3A_62 = vector.shape_cast %argmax3A : vector<4xi32> to vector<4x1xi32>
      scf.yield %select_n3A, %min3A, %broadcast_in_dim3A_62 : vector<4x36xi32>, vector<4x64xf32>, vector<4x1xi32>
    }
    %scan3A_29 = arith.constant 36 : i32
    %swap3A = arith.constant 0 : index
    %swap3A_30 = arith.constant 0 : index
    %swap3A_31 = vector.load %arg1[%swap3A, %swap3A_30] : memref<4x36xi32, #tpu.memory_space<vmem>>, vector<4x36xi32>
    tpu.vector_store %arg1[%swap3A, %swap3A_30], %scan3A_28#0 {strides = array<i32>} : memref<4x36xi32, #tpu.memory_space<vmem>>, vector<4x36xi32>,
    return
  }
}

module attributes {stable_mosaic.version = 14 : i64} {
  func.func @_density_body(%arg0: i32, %arg1: i32, %arg2: memref<1x3x64xf32, #tpu.memory_space<vmem>>, %arg3: memref<1x64x3xf32, #tpu.memory_space<vmem>>, %arg4: memref<1x1x64xf32, #tpu.memory_space<vmem>>) attributes {dimension_semantics = [#tpu.dimension_semantics<arbitrary>, #tpu.dimension_semantics<arbitrary>], iteration_bounds = array<i64: 4, 1>, scalar_prefetch = 0 : i64, scratch_operands = 0 : i64, tpu.core_type = #tpu.core_type<tc>, window_params = [{transform_indices = @transform_0, window_bounds = array<i64: 1, 3, 64>}, {transform_indices = @transform_1, window_bounds = array<i64: 1, 64, 3>}, {transform_indices = @transform_2, window_bounds = array<i64: 1, 1, 64>}]} {
    %get3A = arith.constant 0 : index
    %get3A_0 = arith.constant 0 : index
    %get3A_1 = arith.constant 0 : index
    %get3A_2 = vector.load %arg3[%get3A, %get3A_0, %get3A_1] : memref<1x64x3xf32, #tpu.memory_space<vmem>>, vector<1x64x3xf32>
    %get3A_3 = vector.shape_cast %get3A_2 : vector<1x64x3xf32> to vector<64x3xf32>
    %get3A_4 = arith.constant 0 : index
    %get3A_5 = arith.constant 0 : index
    %get3A_6 = arith.constant 0 : index
    %get3A_7 = vector.load %arg2[%get3A_4, %get3A_5, %get3A_6] : memref<1x3x64xf32, #tpu.memory_space<vmem>>, vector<1x3x64xf32>
    %get3A_8 = vector.shape_cast %get3A_7 : vector<1x3x64xf32> to vector<3x64xf32>
    %dot_general3A = arith.constant dense<0.000000e+00> : vector<64x64xf32>
    %dot_general3A_9 = tpu.matmul %get3A_3, %get3A_8, %dot_general3A {dimension_numbers = #tpu.dot_dimension_numbers<[1], [0], [0], [1], [0, 0, 1, 1], [], []>, transpose_lhs_hint = false} : vector<64x3xf32>, vector<3x64xf32>, vector<64x64xf32> -> vector<64x64xf32>
    %mul3A = arith.mulf %get3A_3, %get3A_3 : vector<64x3xf32>
    %reduce_sum3A = arith.constant dense<0.000000e+00> : vector<64xf32>
    %reduce_sum3A_10 = vector.multi_reduction <add>, %mul3A, %reduce_sum3A [1] : vector<64x3xf32> to vector<64xf32>
    %broadcast_in_dim3A = vector.shape_cast %reduce_sum3A_10 : vector<64xf32> to vector<64x1xf32>
    %mul3A_11 = arith.mulf %get3A_8, %get3A_8 : vector<3x64xf32>
    %reduce_sum3A_12 = arith.constant dense<0.000000e+00> : vector<64xf32>
    %reduce_sum3A_13 = vector.multi_reduction <add>, %mul3A_11, %reduce_sum3A_12 [0] : vector<3x64xf32> to vector<64xf32>
    %broadcast_in_dim3A_14 = vector.shape_cast %reduce_sum3A_13 : vector<64xf32> to vector<1x64xf32>
    %mul3A_15 = arith.constant -2.000000e+00 : f32
    %mul3A_16 = vector.broadcast %mul3A_15 : f32 to vector<64x64xf32>
    %mul3A_17 = arith.mulf %mul3A_16, %dot_general3A_9 : vector<64x64xf32>
    %add3A = vector.broadcast %broadcast_in_dim3A : vector<64x1xf32> to vector<64x64xf32>
    %add3A_18 = arith.addf %mul3A_17, %add3A : vector<64x64xf32>
    %add3A_19 = vector.broadcast %broadcast_in_dim3A_14 : vector<1x64xf32> to vector<64x64xf32>
    %add3A_20 = arith.addf %add3A_18, %add3A_19 : vector<64x64xf32>
    %neg3A = arith.constant 0.000000e+00 : f32
    %neg3A_21 = vector.broadcast %neg3A : f32 to vector<64x64xf32>
    %neg3A_22 = arith.subf %neg3A_21, %add3A_20 : vector<64x64xf32>
    %div3A = arith.constant 3.200000e-01 : f32
    %div3A_23 = vector.broadcast %div3A : f32 to vector<64x64xf32>
    %div3A_24 = arith.divf %neg3A_22, %div3A_23 : vector<64x64xf32>
    %exp3A = math.exp %div3A_24 : vector<64x64xf32>
    %div3A_25 = arith.constant 1.000000e+00 : f32
    %div3A_26 = vector.broadcast %div3A_25 : f32 to vector<64x64xf32>
    %div3A_27 = arith.divf %exp3A, %div3A_26 : vector<64x64xf32>
    %reduce_sum3A_28 = arith.constant dense<0.000000e+00> : vector<64xf32>
    %reduce_sum3A_29 = vector.multi_reduction <add>, %div3A_27, %reduce_sum3A_28 [1] : vector<64x64xf32> to vector<64xf32>
    %div3A_30 = arith.constant 6.400000e+01 : f32
    %div3A_31 = vector.broadcast %div3A_30 : f32 to vector<64xf32>
    %div3A_32 = arith.divf %reduce_sum3A_29, %div3A_31 : vector<64xf32>
    %broadcast_in_dim3A_33 = vector.shape_cast %div3A_32 : vector<64xf32> to vector<1x64xf32>
    %swap3A = arith.constant 0 : index
    %swap3A_34 = arith.constant 0 : index
    %swap3A_35 = arith.constant 0 : index
    %swap3A_36 = vector.load %arg4[%swap3A, %swap3A_34, %swap3A_35] : memref<1x1x64xf32, #tpu.memory_space<vmem>>, vector<1x1x64xf32>
    %swap3A_37 = vector.shape_cast %swap3A_36 : vector<1x1x64xf32> to vector<1x64xf32>
    %swap3A_38 = vector.shape_cast %broadcast_in_dim3A_33 : vector<1x64xf32> to vector<1x1x64xf32>
    tpu.vector_store %arg4[%swap3A, %swap3A_34, %swap3A_35], %swap3A_38 {strides = array<i32>} : memref<1x1x64xf32, #tpu.memory_space<vmem>>, vector<1x1x64xf32>,
    return
  }
  func.func @transform_0(%arg0: i32, %arg1: i32) -> (i32, i32, i32) {
    %c0_i32 = arith.constant 0 : i32
    %c0_i32_0 = arith.constant 0 : i32
    %c0_i32_1 = arith.constant 0 : i32
    return %arg0, %c0_i32, %c0_i32_0 : i32, i32, i32
  }
  func.func @transform_1(%arg0: i32, %arg1: i32) -> (i32, i32, i32) {
    %c0_i32 = arith.constant 0 : i32
    %c0_i32_0 = arith.constant 0 : i32
    return %arg0, %arg1, %c0_i32 : i32, i32, i32
  }
  func.func @transform_2(%arg0: i32, %arg1: i32) -> (i32, i32, i32) {
    %c0_i32 = arith.constant 0 : i32
    %c0_i32_0 = arith.constant 0 : i32
    return %arg0, %c0_i32, %arg1 : i32, i32, i32
  }
}

module attributes {stable_mosaic.version = 14 : i64} {
  func.func @_knn_body(%arg0: i32, %arg1: i32, %arg2: memref<1x3x64xf32, #tpu.memory_space<vmem>>, %arg3: memref<1x36x3xf32, #tpu.memory_space<vmem>>, %arg4: memref<1x36x38xi32, #tpu.memory_space<vmem>>) attributes {dimension_semantics = [#tpu.dimension_semantics<arbitrary>, #tpu.dimension_semantics<arbitrary>], iteration_bounds = array<i64: 4, 1>, scalar_prefetch = 0 : i64, scratch_operands = 0 : i64, tpu.core_type = #tpu.core_type<tc>, window_params = [{transform_indices = @transform_0, window_bounds = array<i64: 1, 3, 64>}, {transform_indices = @transform_1, window_bounds = array<i64: 1, 36, 3>}, {transform_indices = @transform_2, window_bounds = array<i64: 1, 36, 38>}]} {
    %get3A = arith.constant 0 : index
    %get3A_0 = arith.constant 0 : index
    %get3A_1 = arith.constant 0 : index
    %get3A_2 = vector.load %arg3[%get3A, %get3A_0, %get3A_1] : memref<1x36x3xf32, #tpu.memory_space<vmem>>, vector<1x36x3xf32>
    %get3A_3 = vector.shape_cast %get3A_2 : vector<1x36x3xf32> to vector<36x3xf32>
    %get3A_4 = arith.constant 0 : index
    %get3A_5 = arith.constant 0 : index
    %get3A_6 = arith.constant 0 : index
    %get3A_7 = vector.load %arg2[%get3A_4, %get3A_5, %get3A_6] : memref<1x3x64xf32, #tpu.memory_space<vmem>>, vector<1x3x64xf32>
    %get3A_8 = vector.shape_cast %get3A_7 : vector<1x3x64xf32> to vector<3x64xf32>
    %dot_general3A = arith.constant dense<0.000000e+00> : vector<36x64xf32>
    %dot_general3A_9 = tpu.matmul %get3A_3, %get3A_8, %dot_general3A {dimension_numbers = #tpu.dot_dimension_numbers<[1], [0], [0], [1], [0, 0, 1, 1], [], []>, transpose_lhs_hint = false} : vector<36x3xf32>, vector<3x64xf32>, vector<36x64xf32> -> vector<36x64xf32>
    %mul3A = arith.mulf %get3A_3, %get3A_3 : vector<36x3xf32>
    %reduce_sum3A = arith.constant dense<0.000000e+00> : vector<36xf32>
    %reduce_sum3A_10 = vector.multi_reduction <add>, %mul3A, %reduce_sum3A [1] : vector<36x3xf32> to vector<36xf32>
    %broadcast_in_dim3A = vector.shape_cast %reduce_sum3A_10 : vector<36xf32> to vector<36x1xf32>
    %mul3A_11 = arith.mulf %get3A_8, %get3A_8 : vector<3x64xf32>
    %reduce_sum3A_12 = arith.constant dense<0.000000e+00> : vector<64xf32>
    %reduce_sum3A_13 = vector.multi_reduction <add>, %mul3A_11, %reduce_sum3A_12 [0] : vector<3x64xf32> to vector<64xf32>
    %broadcast_in_dim3A_14 = vector.shape_cast %reduce_sum3A_13 : vector<64xf32> to vector<1x64xf32>
    %mul3A_15 = arith.constant -2.000000e+00 : f32
    %mul3A_16 = vector.broadcast %mul3A_15 : f32 to vector<36x64xf32>
    %mul3A_17 = arith.mulf %mul3A_16, %dot_general3A_9 : vector<36x64xf32>
    %add3A = vector.broadcast %broadcast_in_dim3A : vector<36x1xf32> to vector<36x64xf32>
    %add3A_18 = arith.addf %mul3A_17, %add3A : vector<36x64xf32>
    %add3A_19 = vector.broadcast %broadcast_in_dim3A_14 : vector<1x64xf32> to vector<36x64xf32>
    %add3A_20 = arith.addf %add3A_18, %add3A_19 : vector<36x64xf32>
    %iota3A = tpu.iota {dimensions = array<i32: 1>} : vector<36x64xi32>
    %iota3A_21 = tpu.iota {dimensions = array<i32: 1>} : vector<36x38xi32>
    %get3A_22 = arith.constant 0 : index
    %get3A_23 = arith.constant 0 : index
    %get3A_24 = arith.constant 0 : index
    %get3A_25 = vector.load %arg4[%get3A_22, %get3A_23, %get3A_24] : memref<1x36x38xi32, #tpu.memory_space<vmem>>, vector<1x36x38xi32>
    %get3A_26 = vector.shape_cast %get3A_25 : vector<1x36x38xi32> to vector<36x38xi32>
    %scan3A = arith.constant 0 : i32
    %scan3A_27 = arith.constant 38 : i32
    %scan3A_28 = arith.addi %scan3A, %scan3A_27 : i32
    %scan3A_29 = arith.constant 1 : i32
    %scan3A_30:2 = scf.for %scan3A_37 = %scan3A to %scan3A_28 step %scan3A_29 iter_args(%scan3A_38 = %add3A_20, %scan3A_39 = %get3A_26) -> (vector<36x64xf32>, vector<36x38xi32>)  : i32 {
      %argmin3A = tpu.reduce_index %scan3A_38 {axis = 1 : i32, kind = #tpu.reduction_kind<arg_min>} : vector<36x64xf32> -> vector<36xi32>
      %broadcast_in_dim3A_40 = vector.shape_cast %argmin3A : vector<36xi32> to vector<36x1xi32>
      %eq3A = vector.broadcast %scan3A_37 : i32 to vector<36x38xi32>
      %eq3A_41 = arith.cmpi eq, %iota3A_21, %eq3A : vector<36x38xi32>
      %broadcast_in_dim3A_42 = vector.shape_cast %broadcast_in_dim3A_40 : vector<36x1xi32> to vector<36x1xi32>
      %broadcast_in_dim3A_43 = vector.broadcast %broadcast_in_dim3A_42 : vector<36x1xi32> to vector<36x38xi32>
      %select_n3A = arith.select %eq3A_41, %broadcast_in_dim3A_43, %scan3A_39 : vector<36x38xi1>, vector<36x38xi32>
      %eq3A_44 = vector.broadcast %broadcast_in_dim3A_40 : vector<36x1xi32> to vector<36x64xi32>
      %eq3A_45 = arith.cmpi eq, %iota3A, %eq3A_44 : vector<36x64xi32>
      %jit3A = arith.constant 0x7F800000 : f32
      %broadcast_in_dim3A_46 = vector.broadcast %jit3A : f32 to vector<36x64xf32>
      %select_n3A_47 = arith.select %eq3A_45, %broadcast_in_dim3A_46, %scan3A_38 : vector<36x64xi1>, vector<36x64xf32>
      scf.yield %select_n3A_47, %select_n3A : vector<36x64xf32>, vector<36x38xi32>
    }
    %scan3A_31 = arith.constant 38 : i32
    %swap3A = arith.constant 0 : index
    %swap3A_32 = arith.constant 0 : index
    %swap3A_33 = arith.constant 0 : index
    %swap3A_34 = vector.load %arg4[%swap3A, %swap3A_32, %swap3A_33] : memref<1x36x38xi32, #tpu.memory_space<vmem>>, vector<1x36x38xi32>
    %swap3A_35 = vector.shape_cast %swap3A_34 : vector<1x36x38xi32> to vector<36x38xi32>
    %swap3A_36 = vector.shape_cast %scan3A_30#1 : vector<36x38xi32> to vector<1x36x38xi32>
    tpu.vector_store %arg4[%swap3A, %swap3A_32, %swap3A_33], %swap3A_36 {strides = array<i32>} : memref<1x36x38xi32, #tpu.memory_space<vmem>>, vector<1x36x38xi32>,
    return
  }
  func.func @transform_0(%arg0: i32, %arg1: i32) -> (i32, i32, i32) {
    %c0_i32 = arith.constant 0 : i32
    %c0_i32_0 = arith.constant 0 : i32
    %c0_i32_1 = arith.constant 0 : i32
    return %arg0, %c0_i32, %c0_i32_0 : i32, i32, i32
  }
  func.func @transform_1(%arg0: i32, %arg1: i32) -> (i32, i32, i32) {
    %c0_i32 = arith.constant 0 : i32
    %c0_i32_0 = arith.constant 0 : i32
    return %arg0, %arg1, %c0_i32 : i32, i32, i32
  }
  func.func @transform_2(%arg0: i32, %arg1: i32) -> (i32, i32, i32) {
    %c0_i32 = arith.constant 0 : i32
    %c0_i32_0 = arith.constant 0 : i32
    return %arg0, %arg1, %c0_i32 : i32, i32, i32
  }
}

</mosaic_0001>

<sc_bundles>
// kernel: gather_offload_async_start
scs
__scs_entry_jumppad:
0x0: {  	(pc) =	sbr.rel $0x88, $3  }
0x1: {  	(tag) =	ssettag $0x0;
	lr =	simm.s32 $0x1  }
0x2: {  	[smem:$0x3F00] =	sst lr;
	_ =	strace $0xD0000000  }
0x3: {  	_ = 	snop  }
0x4: {  	_ = 	snop  }
0x5: {  	_ = 	snop  }
0x6: {  	_ = 	snop  }
0x7: {  	_ = 	snop  }
__scs_overlays_trampoline_lowered:
0x8: {  	[smem:$0x3F0F] =	sst s0  }
0x9: {  	[smem:$0x3F10] =	sst s1  }
0xa: {  	[smem:$0x3F11] =	sst s2  }
0xb: {  	[smem:$0x3F12] =	sst s3  }
0xc: {  	[smem:$0x3F13] =	sst s4  }
0xd: {  	[smem:$0x3F14] =	sst s5  }
0xe: {  	[smem:$0x3F15] =	sst s6  }
0xf: {  	[smem:$0x3F16] =	sst s7  }
0x10: {  	[smem:$0x3F17] =	sst s8  }
0x11: {  	[smem:$0x3F18] =	sst s9;
	s0 =	simm.s32 @!p0 $0x0  }
0x12: {  	s1 =	sld [smem:$0x3EFE];
	s0 =	simm.s32 @p0 $0x1  }
0x13: {  	[smem:$0x3F19] =	sst s0;
	s0 =	simm.s32 @!p1 $0x0  }
0x14: {  	s2 =	sld [smem:$0x3EFD];
	s0 =	simm.s32 @p1 $0x1  }
0x15: {  	[smem:$0x3F1A] =	sst s0;
	s0 =	simm.s32 @!p2 $0x0  }
0x16: {  	s3 =	sld [smem:$0x3FDB];
	s0 =	simm.s32 @p2 $0x1  }
0x17: {  	s4 =	simm.s32 $0x1BF5;
	[smem:$0x3F1C] =	sst s0  }
0x18: {  	s0 =	sld [smem:$0x3EFF];
	_ =	swait.ge [sflag:s4], $0x0  }
0x19: {  	s7 =	sld [smem:$0x3F00]  }
0x1a: {  	s8 =	sadd.s32 $0xFFFFE003, lr  }
0x1b: {  	s9 =	sadd.s32 $0xFFFFFEF7, lr;
	s5 =	simm.s32 $0xFFFFFFFF;
	p2 =	slt.u32 s8, $0xFFFFF086  }
0x1c: {  	p1 =	slt.u32 s9, $0xF7A;
	s5 =	simm.s32 @!p2 $0x0  }
0x1d: {  	s5 =	simm.s32 @p1 $0x1;
	p0 =	seq.s32 s7, s2  }
0x1e: {  	s7 =	smul.u32 @!p0 $0xF7A, s2;
	p2 =	seq.s32 @!p0 s5, $0x0  }
0x1f: {  	s9 =	smul.u32 $0xF7A, s1;
	s8 =	simm.s32 @!p0 $0x1BF5;
	p2 =	por !p2, p0  }
0x20: {  	[sflag:s8] =	ssyncset.s32 @!p0 $0xFFFFF086;
	s6 =	sadd.s32 @!p0 s3, s7;
	s7 =	simm.s32 @!p0 $0x108  }
0x21: {  	s3 =	sadd.s32 s3, s9;
	s6 =	sadd.s32 @!p0 $0x88, s6;
	s7 =	simm.s32 @p2 $0x1082  }
0x22: {  	[simem:s7], [sflag:s8] =	dma.local @!p0 [hbm:s6], $0xF7A  }
0x23: {  	s9 =	sor.u32 $0xD0000000, s2;
	s6 =	simm.s32 $0x108;
	_ =	swait.ge @!p0 [sflag:s8], $0x0  }
0x24: {  	s3 =	sadd.s32 $0x88, s3;
	s6 =	simm.s32 @!p1 $0x1082;
	[sflag:s4] =	ssyncset.s32 $0xFFFFF086  }
0x25: {  	[simem:s6], [sflag:s4] =	dma.local [hbm:s3], $0xF7A  }
0x26: {  	[smem:$0x3F00] =	sst s1;
	(tag) =	ssettag s2;
	_ =	strace s9  }
0x27: {  	s1 =	sld [smem:$0x3F10]  }
0x28: {  	s2 =	sld [smem:$0x3F11]  }
0x29: {  	s4 =	sld [smem:$0x3F13]  }
0x2a: {  	p0 =	seq.s32 s5, $0x0;
	s5 =	sld [smem:$0x3F14]  }
0x2b: {  	s6 =	sld [smem:$0x3F15]  }
0x2c: {  	s7 =	sld [smem:$0x3F16]  }
0x2d: {  	s3 =	simm.s32 $0x108;
	s8 =	sld [smem:$0x3F17]  }
0x2e: {  	s3 =	simm.s32 @!p0 $0x1082;
	s9 =	sld [smem:$0x3F18]  }
0x2f: {  	lr =	sadd.s32 s0, s3;
	s0 =	sld [smem:$0x3F0F]  }
0x30: {  	s3 =	sld [smem:$0x3F12]  }
0x31: {  	[smem:$0x3F1B] =	sst s10  }
0x32: {  	s10 =	sld [smem:$0x3F19];
	_ =	sdelay $0x3  }
0x33: {  	p0 =	seq.s32 s10, $0x1;
	s10 =	sld [smem:$0x3F1B];
	_ =	sdelay $0x3  }
0x34: {  	[smem:$0x3F1B] =	sst s10  }
0x35: {  	s10 =	sld [smem:$0x3F1A];
	_ =	sdelay $0x3  }
0x36: {  	p1 =	seq.s32 s10, $0x1;
	s10 =	sld [smem:$0x3F1B];
	_ =	sdelay $0x3  }
0x37: {  	[smem:$0x3F1B] =	sst s10  }
0x38: {  	s10 =	sld [smem:$0x3F1C]  }
0x39: {  	_ = 	snop;
	(pc) =	sbr.ind lr, $3  }
0x3a: {  	_ = 	snop  }
0x3b: {  	_ = 	snop  }
0x3c: {  	p2 =	seq.s32 s10, $0x1;
	s10 =	sld [smem:$0x3F1B]  }
0x3d: {  	_ =	shalt  }
0x3e: {  	_ =	shalt  }
0x3f: {  	_ =	shalt  }
0x40: {  	_ =	shalt  }
0x41: {  	_ =	shalt  }
0x42: {  	_ =	shalt  }
0x43: {  	_ =	shalt  }
0x44: {  	_ =	shalt  }
0x45: {  	_ =	shalt  }
0x46: {  	_ =	shalt  }
0x47: {  	_ =	shalt  }
0x48: {  	_ =	shalt  }
0x49: {  	_ =	shalt  }
0x4a: {  	_ =	shalt  }
0x4b: {  	_ =	shalt  }
0x4c: {  	_ =	shalt  }
0x4d: {  	_ =	shalt  }
0x4e: {  	_ =	shalt  }
0x4f: {  	_ =	shalt  }
0x50: {  	_ =	shalt  }
0x51: {  	_ =	shalt  }
0x52: {  	_ =	shalt  }
0x53: {  	_ =	shalt  }
0x54: {  	_ =	shalt  }
0x55: {  	_ =	shalt  }
0x56: {  	_ =	shalt  }
0x57: {  	_ =	shalt  }
0x58: {  	_ =	shalt  }
0x59: {  	_ =	shalt  }
0x5a: {  	_ =	shalt  }
0x5b: {  	_ =	shalt  }
0x5c: {  	_ =	shalt  }
0x5d: {  	_ =	shalt  }
0x5e: {  	_ =	shalt  }
0x5f: {  	_ =	shalt  }
0x60: {  	_ =	shalt  }
0x61: {  	_ =	shalt  }
0x62: {  	_ =	shalt  }
0x63: {  	_ =	shalt  }
0x64: {  	_ =	shalt  }
0x65: {  	_ =	shalt  }
0x66: {  	_ =	shalt  }
0x67: {  	_ =	shalt  }
0x68: {  	_ =	shalt  }
0x69: {  	_ =	shalt  }
0x6a: {  	_ =	shalt  }
0x6b: {  	_ =	shalt  }
0x6c: {  	_ =	shalt  }
0x6d: {  	_ =	shalt  }
0x6e: {  	_ =	shalt  }
0x6f: {  	_ =	shalt  }
0x70: {  	_ =	shalt  }
0x71: {  	_ =	shalt  }
0x72: {  	_ =	shalt  }
0x73: {  	_ =	shalt  }
0x74: {  	_ =	shalt  }
0x75: {  	_ =	shalt  }
0x76: {  	_ =	shalt  }
0x77: {  	_ =	shalt  }
0x78: {  	_ =	shalt  }
0x79: {  	_ =	shalt  }
0x7a: {  	_ =	shalt  }
0x7b: {  	_ =	shalt  }
0x7c: {  	_ =	shalt  }
0x7d: {  	_ =	shalt  }
0x7e: {  	_ =	shalt  }
0x7f: {  	_ =	shalt  }
0x80: {  	_ =	shalt  }
0x81: {  	_ =	shalt  }
0x82: {  	_ =	shalt  }
0x83: {  	_ =	shalt  }
0x84: {  	_ =	shalt  }
0x85: {  	_ =	shalt  }
0x86: {  	_ =	shalt  }
0x87: {  	_ =	shalt  }
.Lfunc_end0:
.L_simem_size_0:
called_computation_lowered:
.L_overlay_start_0:
0x88: {  	s2 =	sld [smem:$0x3FD9]  }
0x89: {  	s3 =	sld [smem:$0x3FFE];
	_ =	sdelay $0x1  }
0x8a: {  	s1 =	srdreg.scid  }
0x8b: {  	s0 =	sand.u32 $0x1, s1  }
0x8c: {  	s14 =	sshll.u32 s0, $0xA;
	s2 =	sadd.s32 s3, s2  }
0x8d: {  	s2 =	sadd.s32 s2, s14  }
0x8e: {  	[smem:$0x3F27] =	sst s2  }
0x8f: {  	_ = 	snop  }
0x90: {  	s2 =	sld [smem:$0x3FD0];
	_ =	sdelay $0x2  }
0x91: {  	s15 =	simm.s32 $0xA;
	s4 =	simm.s32 $0x10  }
0x92: {  	[smem:s4], [sflag:s15] =	dma.local [hbm:s2], $0x1  }
0x93: {  	_ =	swait.eq [sflag:s15], $0x1  }
0x94: {  	[sflag:s15] =	ssyncset.done $0x0  }
0x95: {  	[sflag:s15] =	ssyncadd.s32 $0xFFFFFFFF  }
0x96: {  	s16 =	sld [smem:$0x10];
	(tm) =	ssettm $0x1  }
0x97: {  	s17 =	sld [smem:$0x3FFB];
	_ =	sdelay $0x3  }
0x98: {  	_ =	strace s17  }
0x99: {  	s3 =	sld [smem:$0x3FFC];
	_ =	sdelay $0x3  }
0x9a: {  	_ =	strace s3  }
0x9b: {  	s3 =	sld [smem:$0x3FFD];
	_ =	sdelay $0x3  }
0x9c: {  	_ =	strace s3  }
0x9d: {  	_ =	strace $0x8FFFFFFF  }
0x9e: {  	s18 =	sld [smem:$0x3FDB];
	_ =	sdelay $0x1  }
0x9f: {  	s19 =	simm.s32 $_scs_section_size  }
0xa0: {  	s5 =	simm.s32 $_size__tile_overlayer_lowered;
	s6 =	simm.s32 $_tile_overlayer_lowered  }
0xa1: {  	s22 =	simm.s32 $0x1BFF;
	s21 =	sshll.u32 s6, $0x1;
	s3 =	sadd.s32 s19, s18  }
0xa2: {  	s7 =	simm.s32 $0x0;
	s20 =	sshll.u32 s5, $0x1;
	s5 =	sadd.s32 s21, s3  }
0xa3: {  	[timem:s7], [sflag:s22] =	dma.local [hbm:s5], s20  }
0xa4: {  	_ =	swait.ge [sflag:s22], s20  }
0xa5: {  	s4 =	ssub.s32 $0x0, s20;
	[sflag:s22] =	ssyncset.done $0x0  }
0xa6: {  	[sflag:s22] =	ssyncadd.s32 s4;
	_ =	sdelay $0x1  }
0xa7: {  	s23 =	simm.s32 $0x1B8B  }
0xa8: {  	_ =	swait.ge [sflag:s23], $0x1  }
0xa9: {  	[sflag:s23] =	ssyncset.done $0x0  }
0xaa: {  	s25 =	simm.s32 $0x1B8E;
	s24 =	sld [smem:$0x3FFE];
	[sflag:s23] =	ssyncadd.s32 $0xFFFFFFFF  }
0xab: {  	s26 =	simm.s32 $execute0_lowered;
	[smem:$0x3FD2] =	sst s25  }
0xac: {  	s5 =	sshll.u32 s26, $0x1;
	_ =	strace $0x80000046;
	[dreg:$0x1] =	wrdreg $0xFFFFFFFF  }
0xad: {  	s28 =	simm.s32 $_size_execute0_lowered;
	s3 =	sadd.s32 s3, s5;
	[dreg:$0x0] =	wrdreg $0x0  }
0xae: {  	s5 =	sshll.u32 s28, $0x1;
	[dreg:$0x2] =	wrdreg s3  }
0xaf: {  	[dreg:$0x3] =	wrdreg s5  }
0xb0: {  	[dreg:$0x4] =	wrdreg $0xC0  }
0xb1: {  	_ =	task [dreg:s7], $0x5FFFF  }
0xb2: {  	[dreg:$0x1] =	wrdreg $0xFFFFFFFF  }
0xb3: {  	[dreg:$0x0] =	wrdreg $0x60  }
0xb4: {  	[dreg:$0x2] =	wrdreg s24  }
0xb5: {  	[dreg:$0x3] =	wrdreg s16  }
0xb6: {  	[dreg:$0x4] =	wrdreg $0x9  }
0xb7: {  	_ =	task.clear_ibuf [dreg:s7], $0x5FFFF;
	_ =	strace $0x90000046  }
0xb8: {  	s29 =	simm.s32 $0x9;
	_ =	strace $0x80000048  }
0xb9: {  	_ =	swait.ge [sflag:s29], $0x1  }
0xba: {  	[sflag:s29] =	ssyncadd.s32 $0xFFFFFFFF  }
0xbb: {  	_ =	strace $0x90000048  }
0xbc: {  	_ =	sfence  }
0xbd: {  	s30 =	sld [smem:$0x0];
	_ =	sdelay $0x2  }
0xbe: {  	s31 =	sshll.u32 s1, $0xD;
	s1 =	sshrl.u32 s1, $0x2  }
0xbf: {  	s3 =	sand.u32 $0x4000, s31;
	s1 =	sadd.s32 s1, s30  }
0xc0: {  	s0 =	sor.u32 s3, s0;
	s1 =	sshll.u32 s1, $0x11  }
0xc1: {  	s0 =	sor.u32 s1, s0  }
0xc2: {  	s0 =	sadd.s32 $0x8F2B, s0  }
0xc3: {  	[sflag:s0] =	ssyncadd.remote.s32 $0x1  }
0xc4: {  	_ =	sfence.sel $0xFFFF  }
0xc5: {  	[dreg:$0x0] =	wrdreg $0xFFFFFFFF;
	(pc) =	sbr.abs _section_cstart, $3  }
0xc6: {  	[dreg:$0x1] =	wrdreg $0xFFFFFFFF  }
0xc7: {  	_ =	task.clear_ibuf [dreg:s7], $0x2FFFF;
	_ =	strace $0x9FFFFFFF  }
0xc8: {  	(tm) =	ssettm $0x7FFFFFFF  }
0xc9: {  	_ =	shalt  }
tec
execute0_lowered:
.L_overlay_start_1:
0x0: {  	(tag) =	ssettag $0x1  }
0x1: {  	s2 =	rddreg [dreg:$0x0]  }
0x2: {  	s3 =	rddreg [dreg:$0x1]  }
0x3: {  	s0 =	rddreg [dreg:$0x2];
	s1 =	srdreg.scid;
	_ =	strace $0x80000047  }
0x4: {  	s4 =	simm.s32 $0x1;
	s9 =	simm.s32 $0x3;
	s5 =	sshll.u32 s1, $0x4  }
.Ltmp0:
0x5: {  	s1 =	stileid.u32;
	s5 =	sand.u32 $0x10, s5;
	(pc) =	sbr.rel .LBB2_1-.Ltmp0, $4  }
0x6: {  	s12 =	simm.s32 $0x0;
	s10 =	simm.s32 $0x0;
	s6 =	sor.u32 s1, s5  }
0x7: {  	[sflag:s4] =	ssyncpa.u1 $0x0;
	s5 =	simm.s32 $0x2;
	s6 =	sshll.u32 s6, $0x7  }
0x8: {  	s7 =	sadd.s32 $0x40000, s2;
	[sflag:s5] =	ssyncpa.u1 $0x0;
	s8 =	sadd.s32 $0x80, s6  }
0x9: {  	vm0 =	vmmov $0xff;
	vm1 =	vcmask $0x3F20;
	[sflag:s9] =	ssyncpa.u1 $0x0;
	s9 =	simm.s32 $0x80;
	s11 =	smov.u32 s6  }
.LBB2_9:
0xa: {  	p0 =	seq.s32 s10, $0x2  }
.Ltmp1:
0xb: {  	_ = 	snop;
	(pc) =	sbr.rel @p0 .LBB2_11-.Ltmp1, $1  }
0xc: {  	_ =	sdelay $0x3  }
.LBB2_10:
0xd: {  	s12 =	sadd.s32 $0x80, s11  }
0xe: {  	s13 =	smov.u32 s6;
	p0 =	slt.s32 s12, s8  }
0xf: {  	s13 =	smov.u32 @p0 s12  }
0x10: {  	s10 =	sadd.s32 $0x1, s10;
	s12 =	smov.u32 s11;
	s11 =	smov.u32 s13  }
.LBB2_1:
0x11: {  	p0 =	sne.s32 s10, $0x0  }
.Ltmp2:
0x12: {  	_ = 	snop;
	(pc) =	sbr.rel @!p0 .LBB2_2-.Ltmp2, $1  }
0x13: {  	_ =	sdelay $0x3  }
0x14: {  	s13 =	sand.u32 $0x1, s10  }
0x15: {  	p0 =	seq.s32 s13, $0x0  }
.Ltmp3:
0x16: {  	_ = 	snop;
	(pc) =	sbr.rel @p0 .LBB2_9-.Ltmp3, $1  }
0x17: {  	_ =	sdelay $0x3  }
0x18: {  	_ =	swait.ge [sflag:s5], $0x80  }
0x19: {  	[sflag:s5] =	ssyncset.done $0x0  }
0x1a: {  	s13 =	simm.s32 $0x0;
	[sflag:s5] =	ssyncadd.s32 $0xFFFFFF80  }
0x1b: {  	v0 =	vld.msk [tilespmem:s13+$0x80 ss:$0x1], $0xffff;
	_ =	sdelay $0x4  }
0x1c: {  	v1 =	vshll.u32 v0, $0x5  }
0x1d: {  	vm2 =	veq.s32 v0, $0x80000000;
	v0 =	vshll.u32 v0, $0x13;
	v1 =	vand.u32 $0x7FF80, v1  }
0x1e: {  	v0 =	vand.u32 $0x180000, v0;
	v1 =	vsel vm2, $0xFFFFFF80, v1  }
0x1f: {  	v0 =	vsel vm2, $0xFFF80000, v0;
	v2 =	vand.u32 $0xFFFFFC00, v1  }
0x20: {  	v1 =	vand.u32 $0x380, v1;
	v0 =	vadd.s32 v0, v2  }
0x21: {  	v0 =	vor.u32 v1, v0  }
0x22: {  	v0 =	vshrl.u32 v0, $0x3;
	_ =	sdelay $0x3  }
0x23: {  	s13 =	simm.s32 $0x4100  }
0x24: {  	[tilespmem:s13], [sflag:$0x1] =	stream.indirect_vreg.gather [hbm:s2], $0x80, v0, vm0, $0x38;
	[tilespmem:$0x8100] =	vst v63  }
0x25: {  	s14 =	simm.s32 $0x4500;
	s31 =	simm.s32 $0x10  }
0x26: {  	[tilespmem:s14], [sflag:$0x1] =	stream.indirect_vreg.gather [hbm:s2], $0x80, v0, vm1, $0x38;
	[tilespmem:$0x8100] =	vst v63  }
0x27: {  	s14 =	simm.s32 $0x80;
	v0 =	vld.msk [tilespmem:s31+$0x80 ss:$0x1], $0xffff  }
.LBB2_5:
0x28: {  	p0 =	sne.s32 s14, $0x1C0;
	_ =	sdelay $0x4  }
0x29: {  	v1 =	vshll.u32 v0, $0x5  }
0x2a: {  	vm2 =	veq.s32 v0, $0x80000000;
	v0 =	vshll.u32 v0, $0x13;
	v1 =	vand.u32 $0x7FF80, v1  }
0x2b: {  	v0 =	vand.u32 $0x180000, v0;
	v1 =	vsel vm2, $0xFFFFFF80, v1  }
0x2c: {  	v0 =	vsel vm2, $0xFFF80000, v0;
	v2 =	vand.u32 $0xFFFFFC00, v1  }
0x2d: {  	v1 =	vand.u32 $0x380, v1;
	v0 =	vadd.s32 v0, v2  }
0x2e: {  	v0 =	vor.u32 v1, v0  }
0x2f: {  	v0 =	vshrl.u32 v0, $0x3;
	_ =	sdelay $0x3  }
.Ltmp4:
0x30: {  	s13 =	sadd.s32 $0x800, s13;
	(pc) =	sbr.rel @p0 .LBB2_5-.Ltmp4, $4  }
0x31: {  	[tilespmem:s13], [sflag:$0x1] =	stream.indirect_vreg.gather [hbm:s2], $0x80, v0, vm0, $0x38;
	[tilespmem:$0x8100] =	vst v63  }
0x32: {  	s15 =	sshra.s32 s14, $0x2;
	s16 =	sadd.s32 $0x400, s13  }
0x33: {  	[tilespmem:s16], [sflag:$0x1] =	stream.indirect_vreg.gather [hbm:s2], $0x80, v0, vm1, $0x38;
	[tilespmem:$0x8100] =	vst v63  }
0x34: {  	s14 =	sadd.s32 $0x40, s14;
	v0 =	vld.msk [tilespmem:s15+$0x80 ss:$0x1], $0xffff  }
0x35: {  	_ =	sdelay $0x3  }
0x36: {  	v1 =	vshll.u32 v0, $0x5  }
0x37: {  	vm2 =	veq.s32 v0, $0x80000000;
	v63 =	vshll.u32 v0, $0x13;
	v1 =	vand.u32 $0x7FF80, v1  }
0x38: {  	v0 =	vand.u32 $0x180000, v63;
	v1 =	vsel vm2, $0xFFFFFF80, v1  }
0x39: {  	v0 =	vsel vm2, $0xFFF80000, v0;
	v2 =	vand.u32 $0xFFFFFC00, v1  }
0x3a: {  	v1 =	vand.u32 $0x380, v1;
	v0 =	vadd.s32 v0, v2  }
0x3b: {  	v0 =	vor.u32 v1, v0  }
0x3c: {  	v0 =	vshrl.u32 v0, $0x3;
	_ =	sdelay $0x3  }
0x3d: {  	s13 =	sadd.s32 $0x800, s13  }
0x3e: {  	[tilespmem:s13], [sflag:$0x1] =	stream.indirect_vreg.gather [hbm:s2], $0x80, v0, vm0, $0x38;
	[tilespmem:$0x8100] =	vst v63  }
0x3f: {  	s13 =	sadd.s32 $0x400, s13  }
0x40: {  	[tilespmem:s13], [sflag:$0x1] =	stream.indirect_vreg.gather [hbm:s2], $0x80, v0, vm1, $0x38;
	[tilespmem:$0x8100] =	vst v63  }
0x41: {  	s12 =	sshll.u32 s12, $0x4;
	s14 =	simm.s32 $0x80;
	_ =	swait.ge [sflag:s4], $0x4000  }
0x42: {  	s15 =	simm.s32 $0x4500;
	s12 =	sadd.s32 s12, s7;
	[sflag:s4] =	ssyncset.done $0x0  }
0x43: {  	s16 =	sadd.s32 $0x0, s12;
	s13 =	simm.s32 $0x4100;
	[sflag:s4] =	ssyncadd.s32 $0xFFFFC000  }
.LBB2_7:
0x44: {  	[hbm:s16] =	stream.linear.scatter [tilespmem:s13], [sflag:$0x3], $0x400, $0x38;
	[tilespmem:$0x8100] =	vst v63  }
0x45: {  	s16 =	smov.u32 s14;
	s13 =	smov.u32 s15;
	p0 =	sne.s32 s14, $0x780  }
.Ltmp5:
0x46: {  	s14 =	sadd.s32 $0x80, s14;
	(pc) =	sbr.rel @p0 .LBB2_7-.Ltmp5, $2  }
0x47: {  	_ =	sdelay $0x2  }
0x48: {  	s15 =	sadd.s32 $0x400, s15;
	s16 =	sadd.s32 s16, s12  }
.Ltmp6:
0x49: {  	(pc) =	sbr.rel .LBB2_9-.Ltmp6, $2  }
0x4a: {  	_ =	sdelay $0x2  }
0x4b: {  	[hbm:s16] =	stream.linear.scatter [tilespmem:s13], [sflag:$0x3], $0x400, $0x38;
	[tilespmem:$0x8100] =	vst v63  }
.LBB2_2:
.Ltmp7:
0x4c: {  	(pc) =	sbr.rel .LBB2_10-.Ltmp7, $4  }
0x4d: {  	_ = 	snop  }
0x4e: {  	s12 =	sshrl.u32 s11, $0x3  }
0x4f: {  	s13 =	sand.u32 $0x7, s11;
	s12 =	sadd.s32 s3, s12  }
0x50: {  	[tilespmem:s9], [sflag:$0x2] =	stream.linear.gather [hbm4b:s12+s13], $0x80, $0x38;
	[tilespmem:$0x8100] =	vst v63  }
.LBB2_11:
0x51: {  	s2 =	simm.s32 $0x3  }
0x52: {  	_ =	swait.ge [sflag:s2], $0x4000  }
0x53: {  	[sflag:s2] =	ssyncset.done $0x0  }
0x54: {  	[sflag:s2] =	ssyncadd.s32 $0xFFFFC000  }
0x55: {  	_ =	sfence.sel $0x180000  }
0x56: {  	s3 =	simm.s32 $0x2;
	[bflag:$0x0] =	sbarrier.arrive $0xFFFF  }
0x57: {  	[sflag:s3] =	ssyncpa.u1 $0x1  }
0x58: {  	s31 =	simm.s32 $0x1;
	[sflag:s2] =	ssyncpa.u1 $0x1  }
0x59: {  	[sflag:s31] =	ssyncpa.u1 $0x1  }
0x5a: {  	p0 =	sne.s32 s1, $0x0;
	_ =	strace $0x90000047  }
0x5b: {  	s0 =	sadd.s32 @!p0 $0x100000, s0;
	[bflag:$0x2] =	sbarrier.arrive $0xFFFF  }
0x5c: {  	[sflag:s0] =	ssyncadd.tile.s32 @!p0 $0x1;
	_ =	shalt  }
.Lfunc_end2:
_tile_overlayer_lowered:
.L_overlay_start_2:
0x5d: {  	(tag) =	ssettag $0x2  }
0x5e: {  	s0 =	rddreg [dreg:$0x0];
	s2 =	stileid.u32  }
0x5f: {  	s1 =	rddreg [dreg:$0x1];
	p0 =	sne.s32 s2, $0x0  }
0x60: {  	s3 =	rddreg [dreg:$0x2];
	[bflag:$0x3] =	sbarrier.arrive $0xFFFF;
	s2 =	simm.s32 @!p0 $0x1C01  }
0x61: {  	[timem:s3], [sflag:s2] =	dma.local @!p0 [hbm:s0], s1  }
0x62: {  	s0 =	simm.s32 @!p0 $0x1  }
0x63: {  	_ =	swait.ge @!p0 [sflag:s0], s1  }
0x64: {  	s1 =	ssub.s32 @!p0 $0x0, s1;
	[sflag:s0] =	ssyncset.done @!p0 $0x0  }
0x65: {  	[sflag:s0] =	ssyncadd.s32 @!p0 s1  }
0x66: {  	[bflag:$0x3] =	sbarrier.arrive $0xFFFF  }
0x67: {  	_ =	shalt  }

</sc_bundles>
